<compile_context>
chip_gen: v7x
topology: tpu7x:2x2x1
jax: 0.10.2.dev20260603
libtpu: 0.0.44.dev20260713+nightly
codegen_flags: <defaults>
</compile_context>

<pallas_src>
import functools

import jax
import jax.numpy as jnp
from jax import lax
from jax.experimental import pallas as pl
from jax.experimental.pallas import tpu as pltpu
from jax.experimental.pallas import tpu_sc as plsc

B = 16384
D = 128
NC = 2
NS = 16
L = 16
NW = NC * NS
BPW = B // NW
C = 128
NCHUNK = BPW // C


@functools.partial(
    pl.kernel,
    out_type=jax.ShapeDtypeStruct((B,), jnp.float32),
    mesh=plsc.VectorSubcoreMesh(core_axis_name="c", subcore_axis_name="s"),
    compiler_params=pltpu.CompilerParams(needs_layout_passes=False),
    scratch_types=[
        pltpu.VMEM((NCHUNK, C), jnp.int32),
        pltpu.VMEM((NCHUNK, C), jnp.int32),
        pltpu.VMEM((C, D), jnp.float32),
        pltpu.VMEM((C, D), jnp.float32),
        pltpu.VMEM((C, D), jnp.float32),
        pltpu.VMEM((C, D), jnp.float32),
        pltpu.VMEM((BPW + L,), jnp.float32),
        pltpu.SemaphoreType.DMA,
        pltpu.SemaphoreType.DMA,
        pltpu.SemaphoreType.DMA,
    ],
)
def _skipgram_sc(center_hbm, context_hbm, cidx_hbm, xidx_hbm, out_hbm,
                 idx_c, idx_x, cb0, cb1, xb0, xb1, outb, sem0, sem1, semi):
    wid = lax.axis_index("s") * NC + lax.axis_index("c")
    base = wid * BPW

    idx_dmas = []
    for k in range(NCHUNK):
        idx_dmas.append(pltpu.async_copy(
            cidx_hbm.at[pl.ds(base + k * C, C)], idx_c.at[k], semi))
        idx_dmas.append(pltpu.async_copy(
            xidx_hbm.at[pl.ds(base + k * C, C)], idx_x.at[k], semi))
    idx_dmas[0].wait()
    idx_dmas[1].wait()

    cbufs = (cb0, cb1)
    xbufs = (xb0, xb1)
    sems = (sem0, sem1)

    def fire(k):
        p = k % 2
        dc = pltpu.async_copy(center_hbm.at[idx_c.at[k]], cbufs[p], sems[p])
        dx = pltpu.async_copy(context_hbm.at[idx_x.at[k]], xbufs[p], sems[p])
        return dc, dx

    pending = fire(0)
    for d in idx_dmas[2:]:
        d.wait()
    iota = lax.iota(jnp.int32, L)
    last_lane = iota == (L - 1)

    for k in range(NCHUNK):
        nxt = fire(k + 1) if k + 1 < NCHUNK else None
        pending[0].wait()
        pending[1].wait()
        cb = cbufs[k % 2]
        xb = xbufs[k % 2]

        @plsc.parallel_loop(0, C, step=1, unroll=1)
        def rowbody(r, cb=cb, xb=xb, k=k):
            prods = [cb[r, pl.ds(j * L, L)] * xb[r, pl.ds(j * L, L)]
                     for j in range(D // L)]
            while len(prods) > 1:
                prods = [prods[m] + prods[m + 1]
                         for m in range(0, len(prods), 2)]
            scanv = plsc.cumsum(prods[0])
            plsc.store_compressed(outb.at[pl.ds(k * C + r, L)], scanv,
                                  mask=last_lane)

        pending = nxt

    pltpu.sync_copy(outb.at[pl.ds(0, BPW)], out_hbm.at[pl.ds(base, BPW)])


def kernel(center_table, context_table, center_word_idx, context_word_idx):
    return _skipgram_sc(center_table, context_table,
                        center_word_idx, context_word_idx)

# --- scband reference (transcript-rebuilt; emitter-appended) ---
"""Pipeline reference for scband-skip-gram-model-53850299958006 (READ-ONLY COPY).

The authoritative reference and input builder live on the scoring server;
editing this copy changes nothing except your own understanding.
"""

import jax, jax.numpy as jnp
import numpy as np

VOCAB = 100000
DIM = 128
BATCH = 16384

def setup_inputs(seed: int = 0) -> dict:
    key = jax.random.key(seed)
    k1, k2, k3, k4 = jax.random.split(key, 4)
    initrange = 0.5 / DIM
    center_table = jax.random.uniform(k1, (VOCAB, DIM), dtype=jnp.float32, minval=-initrange, maxval=initrange)
    context_table = jax.random.uniform(k2, (VOCAB, DIM), dtype=jnp.float32, minval=-initrange, maxval=initrange)
    center_word_idx = jax.random.randint(k3, (BATCH,), 0, VOCAB, dtype=jnp.int32)
    context_word_idx = jax.random.randint(k4, (BATCH,), 0, VOCAB, dtype=jnp.int32)
    return {
        "center_table": center_table,
        "context_table": context_table,
        "center_word_idx": center_word_idx,
        "context_word_idx": context_word_idx,
    }

def reference(center_table, context_table, center_word_idx, context_word_idx):
    v_c = jnp.take(center_table, center_word_idx, axis=0)
    u_o = jnp.take(context_table, context_word_idx, axis=0)
    score = jnp.sum(v_c * u_o, axis=1)
    return score

if __name__ == "__main__":
    import jax
    _d = setup_inputs()
    print(jax.jit(kernel)(*tuple(_d.values())))

</pallas_src>

<mosaic_0001>
#map = affine_map<(d0, d1) -> (0, 0)>
#map1 = affine_map<(d0, d1) -> (0)>
module attributes {stable_mosaic.version = 14 : i64} {
  func.func @_skipgram_sc(%arg0: i32, %arg1: i32, %arg2: memref<100000x128xf32, #tpu.memory_space<hbm>>, %arg3: memref<100000x128xf32, #tpu.memory_space<hbm>>, %arg4: memref<16384xi32, #tpu.memory_space<hbm>>, %arg5: memref<16384xi32, #tpu.memory_space<hbm>>, %arg6: memref<16384xf32, #tpu.memory_space<hbm>>, %arg7: memref<4x128xi32, #tpu.memory_space<vmem>>, %arg8: memref<4x128xi32, #tpu.memory_space<vmem>>, %arg9: memref<128x128xf32, #tpu.memory_space<vmem>>, %arg10: memref<128x128xf32, #tpu.memory_space<vmem>>, %arg11: memref<128x128xf32, #tpu.memory_space<vmem>>, %arg12: memref<128x128xf32, #tpu.memory_space<vmem>>, %arg13: memref<528xf32, #tpu.memory_space<vmem>>, %arg14: memref<!tpu.dma_semaphore, #tpu.memory_space<semaphore_mem>>, %arg15: memref<!tpu.dma_semaphore, #tpu.memory_space<semaphore_mem>>, %arg16: memref<!tpu.dma_semaphore, #tpu.memory_space<semaphore_mem>>) attributes {dimension_semantics = [#tpu.dimension_semantics<core_parallel>, #tpu.dimension_semantics<subcore_parallel>], iteration_bounds = array<i64: 2, 16>, scalar_prefetch = 0 : i64, scratch_operands = 10 : i64, tpu.core_type = #tpu.core_type<sc_vector_subcore>, window_params = [{transform_indices = #map}, {transform_indices = #map}, {transform_indices = #map1}, {transform_indices = #map1}, {transform_indices = #map1}]} {
    %mul3A = arith.constant 2 : i32
    %mul3A_0 = arith.muli %arg1, %mul3A : i32
    %add3A = arith.addi %mul3A_0, %arg0 : i32
    %mul3A_1 = arith.constant 512 : i32
    %mul3A_2 = arith.muli %add3A, %mul3A_1 : i32
    %add3A_3 = arith.constant 0 : i32
    %add3A_4 = arith.addi %mul3A_2, %add3A_3 : i32
    %dma_start3A = arith.constant 0 : i32
    %dma_start3A_5 = arith.constant 0 : i32
    %dma_start3A_6 = tpu.memref_slice %arg7[%dma_start3A, %dma_start3A_5] : memref<4x128xi32, #tpu.memory_space<vmem>> -> memref<1x128xi32, #tpu.memory_space<vmem>>
    %dma_start3A_7 = tpu.memref_squeeze %dma_start3A_6 : memref<1x128xi32, #tpu.memory_space<vmem>> -> memref<128xi32, #tpu.memory_space<vmem>>
    %dma_start3A_8 = tpu.memref_slice %arg4[%add3A_4] : memref<16384xi32, #tpu.memory_space<hbm>> -> memref<128xi32, #tpu.memory_space<hbm>>
    %dma_start3A_9 = arith.constant 0 : i32
    %dma_start3A_10 = tpu.memref_slice %arg7[%dma_start3A, %dma_start3A_9] : memref<4x128xi32, #tpu.memory_space<vmem>> -> memref<1x128xi32, #tpu.memory_space<vmem>>
    %dma_start3A_11 = tpu.memref_squeeze %dma_start3A_10 : memref<1x128xi32, #tpu.memory_space<vmem>> -> memref<128xi32, #tpu.memory_space<vmem>>
    %dma_start3A_12 = tpu.memref_slice %arg4[%add3A_4] : memref<16384xi32, #tpu.memory_space<hbm>> -> memref<128xi32, #tpu.memory_space<hbm>>
    tpu.enqueue_dma source(%dma_start3A_12 : memref<128xi32, #tpu.memory_space<hbm>>) target(%dma_start3A_11 : memref<128xi32, #tpu.memory_space<vmem>>) target_semaphore(%arg16 : memref<!tpu.dma_semaphore, #tpu.memory_space<semaphore_mem>>)
    %add3A_13 = arith.constant 0 : i32
    %add3A_14 = arith.addi %mul3A_2, %add3A_13 : i32
    %dma_start3A_15 = arith.constant 0 : i32
    %dma_start3A_16 = arith.constant 0 : i32
    %dma_start3A_17 = tpu.memref_slice %arg8[%dma_start3A_15, %dma_start3A_16] : memref<4x128xi32, #tpu.memory_space<vmem>> -> memref<1x128xi32, #tpu.memory_space<vmem>>
    %dma_start3A_18 = tpu.memref_squeeze %dma_start3A_17 : memref<1x128xi32, #tpu.memory_space<vmem>> -> memref<128xi32, #tpu.memory_space<vmem>>
    %dma_start3A_19 = tpu.memref_slice %arg5[%add3A_14] : memref<16384xi32, #tpu.memory_space<hbm>> -> memref<128xi32, #tpu.memory_space<hbm>>
    %dma_start3A_20 = arith.constant 0 : i32
    %dma_start3A_21 = tpu.memref_slice %arg8[%dma_start3A_15, %dma_start3A_20] : memref<4x128xi32, #tpu.memory_space<vmem>> -> memref<1x128xi32, #tpu.memory_space<vmem>>
    %dma_start3A_22 = tpu.memref_squeeze %dma_start3A_21 : memref<1x128xi32, #tpu.memory_space<vmem>> -> memref<128xi32, #tpu.memory_space<vmem>>
    %dma_start3A_23 = tpu.memref_slice %arg5[%add3A_14] : memref<16384xi32, #tpu.memory_space<hbm>> -> memref<128xi32, #tpu.memory_space<hbm>>
    tpu.enqueue_dma source(%dma_start3A_23 : memref<128xi32, #tpu.memory_space<hbm>>) target(%dma_start3A_22 : memref<128xi32, #tpu.memory_space<vmem>>) target_semaphore(%arg16 : memref<!tpu.dma_semaphore, #tpu.memory_space<semaphore_mem>>)
    %add3A_24 = arith.constant 128 : i32
    %add3A_25 = arith.addi %mul3A_2, %add3A_24 : i32
    %dma_start3A_26 = arith.constant 1 : i32
    %dma_start3A_27 = arith.constant 0 : i32
    %dma_start3A_28 = tpu.memref_slice %arg7[%dma_start3A_26, %dma_start3A_27] : memref<4x128xi32, #tpu.memory_space<vmem>> -> memref<1x128xi32, #tpu.memory_space<vmem>>
    %dma_start3A_29 = tpu.memref_squeeze %dma_start3A_28 : memref<1x128xi32, #tpu.memory_space<vmem>> -> memref<128xi32, #tpu.memory_space<vmem>>
    %dma_start3A_30 = tpu.memref_slice %arg4[%add3A_25] : memref<16384xi32, #tpu.memory_space<hbm>> -> memref<128xi32, #tpu.memory_space<hbm>>
    %dma_start3A_31 = arith.constant 0 : i32
    %dma_start3A_32 = tpu.memref_slice %arg7[%dma_start3A_26, %dma_start3A_31] : memref<4x128xi32, #tpu.memory_space<vmem>> -> memref<1x128xi32, #tpu.memory_space<vmem>>
    %dma_start3A_33 = tpu.memref_squeeze %dma_start3A_32 : memref<1x128xi32, #tpu.memory_space<vmem>> -> memref<128xi32, #tpu.memory_space<vmem>>
    %dma_start3A_34 = tpu.memref_slice %arg4[%add3A_25] : memref<16384xi32, #tpu.memory_space<hbm>> -> memref<128xi32, #tpu.memory_space<hbm>>
    tpu.enqueue_dma source(%dma_start3A_34 : memref<128xi32, #tpu.memory_space<hbm>>) target(%dma_start3A_33 : memref<128xi32, #tpu.memory_space<vmem>>) target_semaphore(%arg16 : memref<!tpu.dma_semaphore, #tpu.memory_space<semaphore_mem>>)
    %add3A_35 = arith.constant 128 : i32
    %add3A_36 = arith.addi %mul3A_2, %add3A_35 : i32
    %dma_start3A_37 = arith.constant 1 : i32
    %dma_start3A_38 = arith.constant 0 : i32
    %dma_start3A_39 = tpu.memref_slice %arg8[%dma_start3A_37, %dma_start3A_38] : memref<4x128xi32, #tpu.memory_space<vmem>> -> memref<1x128xi32, #tpu.memory_space<vmem>>
    %dma_start3A_40 = tpu.memref_squeeze %dma_start3A_39 : memref<1x128xi32, #tpu.memory_space<vmem>> -> memref<128xi32, #tpu.memory_space<vmem>>
    %dma_start3A_41 = tpu.memref_slice %arg5[%add3A_36] : memref<16384xi32, #tpu.memory_space<hbm>> -> memref<128xi32, #tpu.memory_space<hbm>>
    %dma_start3A_42 = arith.constant 0 : i32
    %dma_start3A_43 = tpu.memref_slice %arg8[%dma_start3A_37, %dma_start3A_42] : memref<4x128xi32, #tpu.memory_space<vmem>> -> memref<1x128xi32, #tpu.memory_space<vmem>>
    %dma_start3A_44 = tpu.memref_squeeze %dma_start3A_43 : memref<1x128xi32, #tpu.memory_space<vmem>> -> memref<128xi32, #tpu.memory_space<vmem>>
    %dma_start3A_45 = tpu.memref_slice %arg5[%add3A_36] : memref<16384xi32, #tpu.memory_space<hbm>> -> memref<128xi32, #tpu.memory_space<hbm>>
    tpu.enqueue_dma source(%dma_start3A_45 : memref<128xi32, #tpu.memory_space<hbm>>) target(%dma_start3A_44 : memref<128xi32, #tpu.memory_space<vmem>>) target_semaphore(%arg16 : memref<!tpu.dma_semaphore, #tpu.memory_space<semaphore_mem>>)
    %add3A_46 = arith.constant 256 : i32
    %add3A_47 = arith.addi %mul3A_2, %add3A_46 : i32
    %dma_start3A_48 = arith.constant 2 : i32
    %dma_start3A_49 = arith.constant 0 : i32
    %dma_start3A_50 = tpu.memref_slice %arg7[%dma_start3A_48, %dma_start3A_49] : memref<4x128xi32, #tpu.memory_space<vmem>> -> memref<1x128xi32, #tpu.memory_space<vmem>>
    %dma_start3A_51 = tpu.memref_squeeze %dma_start3A_50 : memref<1x128xi32, #tpu.memory_space<vmem>> -> memref<128xi32, #tpu.memory_space<vmem>>
    %dma_start3A_52 = tpu.memref_slice %arg4[%add3A_47] : memref<16384xi32, #tpu.memory_space<hbm>> -> memref<128xi32, #tpu.memory_space<hbm>>
    %dma_start3A_53 = arith.constant 0 : i32
    %dma_start3A_54 = tpu.memref_slice %arg7[%dma_start3A_48, %dma_start3A_53] : memref<4x128xi32, #tpu.memory_space<vmem>> -> memref<1x128xi32, #tpu.memory_space<vmem>>
    %dma_start3A_55 = tpu.memref_squeeze %dma_start3A_54 : memref<1x128xi32, #tpu.memory_space<vmem>> -> memref<128xi32, #tpu.memory_space<vmem>>
    %dma_start3A_56 = tpu.memref_slice %arg4[%add3A_47] : memref<16384xi32, #tpu.memory_space<hbm>> -> memref<128xi32, #tpu.memory_space<hbm>>
    tpu.enqueue_dma source(%dma_start3A_56 : memref<128xi32, #tpu.memory_space<hbm>>) target(%dma_start3A_55 : memref<128xi32, #tpu.memory_space<vmem>>) target_semaphore(%arg16 : memref<!tpu.dma_semaphore, #tpu.memory_space<semaphore_mem>>)
    %add3A_57 = arith.constant 256 : i32
    %add3A_58 = arith.addi %mul3A_2, %add3A_57 : i32
    %dma_start3A_59 = arith.constant 2 : i32
    %dma_start3A_60 = arith.constant 0 : i32
    %dma_start3A_61 = tpu.memref_slice %arg8[%dma_start3A_59, %dma_start3A_60] : memref<4x128xi32, #tpu.memory_space<vmem>> -> memref<1x128xi32, #tpu.memory_space<vmem>>
    %dma_start3A_62 = tpu.memref_squeeze %dma_start3A_61 : memref<1x128xi32, #tpu.memory_space<vmem>> -> memref<128xi32, #tpu.memory_space<vmem>>
    %dma_start3A_63 = tpu.memref_slice %arg5[%add3A_58] : memref<16384xi32, #tpu.memory_space<hbm>> -> memref<128xi32, #tpu.memory_space<hbm>>
    %dma_start3A_64 = arith.constant 0 : i32
    %dma_start3A_65 = tpu.memref_slice %arg8[%dma_start3A_59, %dma_start3A_64] : memref<4x128xi32, #tpu.memory_space<vmem>> -> memref<1x128xi32, #tpu.memory_space<vmem>>
    %dma_start3A_66 = tpu.memref_squeeze %dma_start3A_65 : memref<1x128xi32, #tpu.memory_space<vmem>> -> memref<128xi32, #tpu.memory_space<vmem>>
    %dma_start3A_67 = tpu.memref_slice %arg5[%add3A_58] : memref<16384xi32, #tpu.memory_space<hbm>> -> memref<128xi32, #tpu.memory_space<hbm>>
    tpu.enqueue_dma source(%dma_start3A_67 : memref<128xi32, #tpu.memory_space<hbm>>) target(%dma_start3A_66 : memref<128xi32, #tpu.memory_space<vmem>>) target_semaphore(%arg16 : memref<!tpu.dma_semaphore, #tpu.memory_space<semaphore_mem>>)
    %add3A_68 = arith.constant 384 : i32
    %add3A_69 = arith.addi %mul3A_2, %add3A_68 : i32
    %dma_start3A_70 = arith.constant 3 : i32
    %dma_start3A_71 = arith.constant 0 : i32
    %dma_start3A_72 = tpu.memref_slice %arg7[%dma_start3A_70, %dma_start3A_71] : memref<4x128xi32, #tpu.memory_space<vmem>> -> memref<1x128xi32, #tpu.memory_space<vmem>>
    %dma_start3A_73 = tpu.memref_squeeze %dma_start3A_72 : memref<1x128xi32, #tpu.memory_space<vmem>> -> memref<128xi32, #tpu.memory_space<vmem>>
    %dma_start3A_74 = tpu.memref_slice %arg4[%add3A_69] : memref<16384xi32, #tpu.memory_space<hbm>> -> memref<128xi32, #tpu.memory_space<hbm>>
    %dma_start3A_75 = arith.constant 0 : i32
    %dma_start3A_76 = tpu.memref_slice %arg7[%dma_start3A_70, %dma_start3A_75] : memref<4x128xi32, #tpu.memory_space<vmem>> -> memref<1x128xi32, #tpu.memory_space<vmem>>
    %dma_start3A_77 = tpu.memref_squeeze %dma_start3A_76 : memref<1x128xi32, #tpu.memory_space<vmem>> -> memref<128xi32, #tpu.memory_space<vmem>>
    %dma_start3A_78 = tpu.memref_slice %arg4[%add3A_69] : memref<16384xi32, #tpu.memory_space<hbm>> -> memref<128xi32, #tpu.memory_space<hbm>>
    tpu.enqueue_dma source(%dma_start3A_78 : memref<128xi32, #tpu.memory_space<hbm>>) target(%dma_start3A_77 : memref<128xi32, #tpu.memory_space<vmem>>) target_semaphore(%arg16 : memref<!tpu.dma_semaphore, #tpu.memory_space<semaphore_mem>>)
    %add3A_79 = arith.constant 384 : i32
    %add3A_80 = arith.addi %mul3A_2, %add3A_79 : i32
    %dma_start3A_81 = arith.constant 3 : i32
    %dma_start3A_82 = arith.constant 0 : i32
    %dma_start3A_83 = tpu.memref_slice %arg8[%dma_start3A_81, %dma_start3A_82] : memref<4x128xi32, #tpu.memory_space<vmem>> -> memref<1x128xi32, #tpu.memory_space<vmem>>
    %dma_start3A_84 = tpu.memref_squeeze %dma_start3A_83 : memref<1x128xi32, #tpu.memory_space<vmem>> -> memref<128xi32, #tpu.memory_space<vmem>>
    %dma_start3A_85 = tpu.memref_slice %arg5[%add3A_80] : memref<16384xi32, #tpu.memory_space<hbm>> -> memref<128xi32, #tpu.memory_space<hbm>>
    %dma_start3A_86 = arith.constant 0 : i32
    %dma_start3A_87 = tpu.memref_slice %arg8[%dma_start3A_81, %dma_start3A_86] : memref<4x128xi32, #tpu.memory_space<vmem>> -> memref<1x128xi32, #tpu.memory_space<vmem>>
    %dma_start3A_88 = tpu.memref_squeeze %dma_start3A_87 : memref<1x128xi32, #tpu.memory_space<vmem>> -> memref<128xi32, #tpu.memory_space<vmem>>
    %dma_start3A_89 = tpu.memref_slice %arg5[%add3A_80] : memref<16384xi32, #tpu.memory_space<hbm>> -> memref<128xi32, #tpu.memory_space<hbm>>
    tpu.enqueue_dma source(%dma_start3A_89 : memref<128xi32, #tpu.memory_space<hbm>>) target(%dma_start3A_88 : memref<128xi32, #tpu.memory_space<vmem>>) target_semaphore(%arg16 : memref<!tpu.dma_semaphore, #tpu.memory_space<semaphore_mem>>)
    %dma_wait3A = arith.constant 0 : i32
    %dma_wait3A_90 = arith.constant 0 : i32
    %dma_wait3A_91 = tpu.memref_slice %arg7[%dma_wait3A, %dma_wait3A_90] : memref<4x128xi32, #tpu.memory_space<vmem>> -> memref<1x128xi32, #tpu.memory_space<vmem>>
    %dma_wait3A_92 = tpu.memref_squeeze %dma_wait3A_91 : memref<1x128xi32, #tpu.memory_space<vmem>> -> memref<128xi32, #tpu.memory_space<vmem>>
    %dma_wait3A_93 = tpu.memref_slice %arg4[%add3A_4] : memref<16384xi32, #tpu.memory_space<hbm>> -> memref<128xi32, #tpu.memory_space<hbm>>
    %dma_wait3A_94 = arith.constant 0 : i32
    %dma_wait3A_95 = tpu.memref_slice %arg7[%dma_wait3A, %dma_wait3A_94] : memref<4x128xi32, #tpu.memory_space<vmem>> -> memref<1x128xi32, #tpu.memory_space<vmem>>
    %dma_wait3A_96 = tpu.memref_squeeze %dma_wait3A_95 : memref<1x128xi32, #tpu.memory_space<vmem>> -> memref<128xi32, #tpu.memory_space<vmem>>
    %dma_wait3A_97 = tpu.memref_slice %arg4[%add3A_4] : memref<16384xi32, #tpu.memory_space<hbm>> -> memref<128xi32, #tpu.memory_space<hbm>>
    tpu.wait_dma2 semaphore(%arg16 : memref<!tpu.dma_semaphore, #tpu.memory_space<semaphore_mem>>) src(%dma_wait3A_97 : memref<128xi32, #tpu.memory_space<hbm>>) dst(%dma_wait3A_96 : memref<128xi32, #tpu.memory_space<vmem>>)
    %dma_wait3A_98 = arith.constant 0 : i32
    %dma_wait3A_99 = arith.constant 0 : i32
    %dma_wait3A_100 = tpu.memref_slice %arg8[%dma_wait3A_98, %dma_wait3A_99] : memref<4x128xi32, #tpu.memory_space<vmem>> -> memref<1x128xi32, #tpu.memory_space<vmem>>
    %dma_wait3A_101 = tpu.memref_squeeze %dma_wait3A_100 : memref<1x128xi32, #tpu.memory_space<vmem>> -> memref<128xi32, #tpu.memory_space<vmem>>
    %dma_wait3A_102 = tpu.memref_slice %arg5[%add3A_14] : memref<16384xi32, #tpu.memory_space<hbm>> -> memref<128xi32, #tpu.memory_space<hbm>>
    %dma_wait3A_103 = arith.constant 0 : i32
    %dma_wait3A_104 = tpu.memref_slice %arg8[%dma_wait3A_98, %dma_wait3A_103] : memref<4x128xi32, #tpu.memory_space<vmem>> -> memref<1x128xi32, #tpu.memory_space<vmem>>
    %dma_wait3A_105 = tpu.memref_squeeze %dma_wait3A_104 : memref<1x128xi32, #tpu.memory_space<vmem>> -> memref<128xi32, #tpu.memory_space<vmem>>
    %dma_wait3A_106 = tpu.memref_slice %arg5[%add3A_14] : memref<16384xi32, #tpu.memory_space<hbm>> -> memref<128xi32, #tpu.memory_space<hbm>>
    tpu.wait_dma2 semaphore(%arg16 : memref<!tpu.dma_semaphore, #tpu.memory_space<semaphore_mem>>) src(%dma_wait3A_106 : memref<128xi32, #tpu.memory_space<hbm>>) dst(%dma_wait3A_105 : memref<128xi32, #tpu.memory_space<vmem>>)
    %dma_start3A_107 = arith.constant 0 : i32
    %dma_start3A_108 = arith.constant 0 : i32
    %dma_start3A_109 = tpu.memref_slice %arg7[%dma_start3A_107, %dma_start3A_108] : memref<4x128xi32, #tpu.memory_space<vmem>> -> memref<1x128xi32, #tpu.memory_space<vmem>>
    %dma_start3A_110 = tpu.memref_squeeze %dma_start3A_109 : memref<1x128xi32, #tpu.memory_space<vmem>> -> memref<128xi32, #tpu.memory_space<vmem>>
    %dma_start3A_111 = arith.constant 0 : i32
    %dma_start3A_112 = arith.constant 0 : i32
    %dma_start3A_113 = tpu.memref_slice %arg2[%dma_start3A_111, %dma_start3A_112] : memref<100000x128xf32, #tpu.memory_space<hbm>> -> memref<100000x128xf32, #tpu.memory_space<hbm>>
    tpu.enqueue_indirect_dma source(%dma_start3A_113 : memref<100000x128xf32, #tpu.memory_space<hbm>>) target(%arg9 : memref<128x128xf32, #tpu.memory_space<vmem>>) offsets(%dma_start3A_110 : memref<128xi32, #tpu.memory_space<vmem>>) semaphore(%arg14 : memref<!tpu.dma_semaphore, #tpu.memory_space<semaphore_mem>>)
    %dma_start3A_114 = arith.constant 0 : i32
    %dma_start3A_115 = arith.constant 0 : i32
    %dma_start3A_116 = tpu.memref_slice %arg8[%dma_start3A_114, %dma_start3A_115] : memref<4x128xi32, #tpu.memory_space<vmem>> -> memref<1x128xi32, #tpu.memory_space<vmem>>
    %dma_start3A_117 = tpu.memref_squeeze %dma_start3A_116 : memref<1x128xi32, #tpu.memory_space<vmem>> -> memref<128xi32, #tpu.memory_space<vmem>>
    %dma_start3A_118 = arith.constant 0 : i32
    %dma_start3A_119 = arith.constant 0 : i32
    %dma_start3A_120 = tpu.memref_slice %arg3[%dma_start3A_118, %dma_start3A_119] : memref<100000x128xf32, #tpu.memory_space<hbm>> -> memref<100000x128xf32, #tpu.memory_space<hbm>>
    tpu.enqueue_indirect_dma source(%dma_start3A_120 : memref<100000x128xf32, #tpu.memory_space<hbm>>) target(%arg11 : memref<128x128xf32, #tpu.memory_space<vmem>>) offsets(%dma_start3A_117 : memref<128xi32, #tpu.memory_space<vmem>>) semaphore(%arg14 : memref<!tpu.dma_semaphore, #tpu.memory_space<semaphore_mem>>)
    %dma_wait3A_121 = arith.constant 1 : i32
    %dma_wait3A_122 = arith.constant 0 : i32
    %dma_wait3A_123 = tpu.memref_slice %arg7[%dma_wait3A_121, %dma_wait3A_122] : memref<4x128xi32, #tpu.memory_space<vmem>> -> memref<1x128xi32, #tpu.memory_space<vmem>>
    %dma_wait3A_124 = tpu.memref_squeeze %dma_wait3A_123 : memref<1x128xi32, #tpu.memory_space<vmem>> -> memref<128xi32, #tpu.memory_space<vmem>>
    %dma_wait3A_125 = tpu.memref_slice %arg4[%add3A_25] : memref<16384xi32, #tpu.memory_space<hbm>> -> memref<128xi32, #tpu.memory_space<hbm>>
    %dma_wait3A_126 = arith.constant 0 : i32
    %dma_wait3A_127 = tpu.memref_slice %arg7[%dma_wait3A_121, %dma_wait3A_126] : memref<4x128xi32, #tpu.memory_space<vmem>> -> memref<1x128xi32, #tpu.memory_space<vmem>>
    %dma_wait3A_128 = tpu.memref_squeeze %dma_wait3A_127 : memref<1x128xi32, #tpu.memory_space<vmem>> -> memref<128xi32, #tpu.memory_space<vmem>>
    %dma_wait3A_129 = tpu.memref_slice %arg4[%add3A_25] : memref<16384xi32, #tpu.memory_space<hbm>> -> memref<128xi32, #tpu.memory_space<hbm>>
    tpu.wait_dma2 semaphore(%arg16 : memref<!tpu.dma_semaphore, #tpu.memory_space<semaphore_mem>>) src(%dma_wait3A_129 : memref<128xi32, #tpu.memory_space<hbm>>) dst(%dma_wait3A_128 : memref<128xi32, #tpu.memory_space<vmem>>)
    %dma_wait3A_130 = arith.constant 1 : i32
    %dma_wait3A_131 = arith.constant 0 : i32
    %dma_wait3A_132 = tpu.memref_slice %arg8[%dma_wait3A_130, %dma_wait3A_131] : memref<4x128xi32, #tpu.memory_space<vmem>> -> memref<1x128xi32, #tpu.memory_space<vmem>>
    %dma_wait3A_133 = tpu.memref_squeeze %dma_wait3A_132 : memref<1x128xi32, #tpu.memory_space<vmem>> -> memref<128xi32, #tpu.memory_space<vmem>>
    %dma_wait3A_134 = tpu.memref_slice %arg5[%add3A_36] : memref<16384xi32, #tpu.memory_space<hbm>> -> memref<128xi32, #tpu.memory_space<hbm>>
    %dma_wait3A_135 = arith.constant 0 : i32
    %dma_wait3A_136 = tpu.memref_slice %arg8[%dma_wait3A_130, %dma_wait3A_135] : memref<4x128xi32, #tpu.memory_space<vmem>> -> memref<1x128xi32, #tpu.memory_space<vmem>>
    %dma_wait3A_137 = tpu.memref_squeeze %dma_wait3A_136 : memref<1x128xi32, #tpu.memory_space<vmem>> -> memref<128xi32, #tpu.memory_space<vmem>>
    %dma_wait3A_138 = tpu.memref_slice %arg5[%add3A_36] : memref<16384xi32, #tpu.memory_space<hbm>> -> memref<128xi32, #tpu.memory_space<hbm>>
    tpu.wait_dma2 semaphore(%arg16 : memref<!tpu.dma_semaphore, #tpu.memory_space<semaphore_mem>>) src(%dma_wait3A_138 : memref<128xi32, #tpu.memory_space<hbm>>) dst(%dma_wait3A_137 : memref<128xi32, #tpu.memory_space<vmem>>)
    %dma_wait3A_139 = arith.constant 2 : i32
    %dma_wait3A_140 = arith.constant 0 : i32
    %dma_wait3A_141 = tpu.memref_slice %arg7[%dma_wait3A_139, %dma_wait3A_140] : memref<4x128xi32, #tpu.memory_space<vmem>> -> memref<1x128xi32, #tpu.memory_space<vmem>>
    %dma_wait3A_142 = tpu.memref_squeeze %dma_wait3A_141 : memref<1x128xi32, #tpu.memory_space<vmem>> -> memref<128xi32, #tpu.memory_space<vmem>>
    %dma_wait3A_143 = tpu.memref_slice %arg4[%add3A_47] : memref<16384xi32, #tpu.memory_space<hbm>> -> memref<128xi32, #tpu.memory_space<hbm>>
    %dma_wait3A_144 = arith.constant 0 : i32
    %dma_wait3A_145 = tpu.memref_slice %arg7[%dma_wait3A_139, %dma_wait3A_144] : memref<4x128xi32, #tpu.memory_space<vmem>> -> memref<1x128xi32, #tpu.memory_space<vmem>>
    %dma_wait3A_146 = tpu.memref_squeeze %dma_wait3A_145 : memref<1x128xi32, #tpu.memory_space<vmem>> -> memref<128xi32, #tpu.memory_space<vmem>>
    %dma_wait3A_147 = tpu.memref_slice %arg4[%add3A_47] : memref<16384xi32, #tpu.memory_space<hbm>> -> memref<128xi32, #tpu.memory_space<hbm>>
    tpu.wait_dma2 semaphore(%arg16 : memref<!tpu.dma_semaphore, #tpu.memory_space<semaphore_mem>>) src(%dma_wait3A_147 : memref<128xi32, #tpu.memory_space<hbm>>) dst(%dma_wait3A_146 : memref<128xi32, #tpu.memory_space<vmem>>)
    %dma_wait3A_148 = arith.constant 2 : i32
    %dma_wait3A_149 = arith.constant 0 : i32
    %dma_wait3A_150 = tpu.memref_slice %arg8[%dma_wait3A_148, %dma_wait3A_149] : memref<4x128xi32, #tpu.memory_space<vmem>> -> memref<1x128xi32, #tpu.memory_space<vmem>>
    %dma_wait3A_151 = tpu.memref_squeeze %dma_wait3A_150 : memref<1x128xi32, #tpu.memory_space<vmem>> -> memref<128xi32, #tpu.memory_space<vmem>>
    %dma_wait3A_152 = tpu.memref_slice %arg5[%add3A_58] : memref<16384xi32, #tpu.memory_space<hbm>> -> memref<128xi32, #tpu.memory_space<hbm>>
    %dma_wait3A_153 = arith.constant 0 : i32
    %dma_wait3A_154 = tpu.memref_slice %arg8[%dma_wait3A_148, %dma_wait3A_153] : memref<4x128xi32, #tpu.memory_space<vmem>> -> memref<1x128xi32, #tpu.memory_space<vmem>>
    %dma_wait3A_155 = tpu.memref_squeeze %dma_wait3A_154 : memref<1x128xi32, #tpu.memory_space<vmem>> -> memref<128xi32, #tpu.memory_space<vmem>>
    %dma_wait3A_156 = tpu.memref_slice %arg5[%add3A_58] : memref<16384xi32, #tpu.memory_space<hbm>> -> memref<128xi32, #tpu.memory_space<hbm>>
    tpu.wait_dma2 semaphore(%arg16 : memref<!tpu.dma_semaphore, #tpu.memory_space<semaphore_mem>>) src(%dma_wait3A_156 : memref<128xi32, #tpu.memory_space<hbm>>) dst(%dma_wait3A_155 : memref<128xi32, #tpu.memory_space<vmem>>)
    %dma_wait3A_157 = arith.constant 3 : i32
    %dma_wait3A_158 = arith.constant 0 : i32
    %dma_wait3A_159 = tpu.memref_slice %arg7[%dma_wait3A_157, %dma_wait3A_158] : memref<4x128xi32, #tpu.memory_space<vmem>> -> memref<1x128xi32, #tpu.memory_space<vmem>>
    %dma_wait3A_160 = tpu.memref_squeeze %dma_wait3A_159 : memref<1x128xi32, #tpu.memory_space<vmem>> -> memref<128xi32, #tpu.memory_space<vmem>>
    %dma_wait3A_161 = tpu.memref_slice %arg4[%add3A_69] : memref<16384xi32, #tpu.memory_space<hbm>> -> memref<128xi32, #tpu.memory_space<hbm>>
    %dma_wait3A_162 = arith.constant 0 : i32
    %dma_wait3A_163 = tpu.memref_slice %arg7[%dma_wait3A_157, %dma_wait3A_162] : memref<4x128xi32, #tpu.memory_space<vmem>> -> memref<1x128xi32, #tpu.memory_space<vmem>>
    %dma_wait3A_164 = tpu.memref_squeeze %dma_wait3A_163 : memref<1x128xi32, #tpu.memory_space<vmem>> -> memref<128xi32, #tpu.memory_space<vmem>>
    %dma_wait3A_165 = tpu.memref_slice %arg4[%add3A_69] : memref<16384xi32, #tpu.memory_space<hbm>> -> memref<128xi32, #tpu.memory_space<hbm>>
    tpu.wait_dma2 semaphore(%arg16 : memref<!tpu.dma_semaphore, #tpu.memory_space<semaphore_mem>>) src(%dma_wait3A_165 : memref<128xi32, #tpu.memory_space<hbm>>) dst(%dma_wait3A_164 : memref<128xi32, #tpu.memory_space<vmem>>)
    %dma_wait3A_166 = arith.constant 3 : i32
    %dma_wait3A_167 = arith.constant 0 : i32
    %dma_wait3A_168 = tpu.memref_slice %arg8[%dma_wait3A_166, %dma_wait3A_167] : memref<4x128xi32, #tpu.memory_space<vmem>> -> memref<1x128xi32, #tpu.memory_space<vmem>>
    %dma_wait3A_169 = tpu.memref_squeeze %dma_wait3A_168 : memref<1x128xi32, #tpu.memory_space<vmem>> -> memref<128xi32, #tpu.memory_space<vmem>>
    %dma_wait3A_170 = tpu.memref_slice %arg5[%add3A_80] : memref<16384xi32, #tpu.memory_space<hbm>> -> memref<128xi32, #tpu.memory_space<hbm>>
    %dma_wait3A_171 = arith.constant 0 : i32
    %dma_wait3A_172 = tpu.memref_slice %arg8[%dma_wait3A_166, %dma_wait3A_171] : memref<4x128xi32, #tpu.memory_space<vmem>> -> memref<1x128xi32, #tpu.memory_space<vmem>>
    %dma_wait3A_173 = tpu.memref_squeeze %dma_wait3A_172 : memref<1x128xi32, #tpu.memory_space<vmem>> -> memref<128xi32, #tpu.memory_space<vmem>>
    %dma_wait3A_174 = tpu.memref_slice %arg5[%add3A_80] : memref<16384xi32, #tpu.memory_space<hbm>> -> memref<128xi32, #tpu.memory_space<hbm>>
    tpu.wait_dma2 semaphore(%arg16 : memref<!tpu.dma_semaphore, #tpu.memory_space<semaphore_mem>>) src(%dma_wait3A_174 : memref<128xi32, #tpu.memory_space<hbm>>) dst(%dma_wait3A_173 : memref<128xi32, #tpu.memory_space<vmem>>)
    %iota3A = tpu.iota {dimensions = array<i32: 0>} : vector<16xi32>
    %eq3A = arith.constant 15 : i32
    %eq3A_175 = vector.broadcast %eq3A : i32 to vector<16xi32>
    %eq3A_176 = arith.cmpi eq, %iota3A, %eq3A_175 : vector<16xi32>
    %dma_start3A_177 = arith.constant 1 : i32
    %dma_start3A_178 = arith.constant 0 : i32
    %dma_start3A_179 = tpu.memref_slice %arg7[%dma_start3A_177, %dma_start3A_178] : memref<4x128xi32, #tpu.memory_space<vmem>> -> memref<1x128xi32, #tpu.memory_space<vmem>>
    %dma_start3A_180 = tpu.memref_squeeze %dma_start3A_179 : memref<1x128xi32, #tpu.memory_space<vmem>> -> memref<128xi32, #tpu.memory_space<vmem>>
    %dma_start3A_181 = arith.constant 0 : i32
    %dma_start3A_182 = arith.constant 0 : i32
    %dma_start3A_183 = tpu.memref_slice %arg2[%dma_start3A_181, %dma_start3A_182] : memref<100000x128xf32, #tpu.memory_space<hbm>> -> memref<100000x128xf32, #tpu.memory_space<hbm>>
    tpu.enqueue_indirect_dma source(%dma_start3A_183 : memref<100000x128xf32, #tpu.memory_space<hbm>>) target(%arg10 : memref<128x128xf32, #tpu.memory_space<vmem>>) offsets(%dma_start3A_180 : memref<128xi32, #tpu.memory_space<vmem>>) semaphore(%arg15 : memref<!tpu.dma_semaphore, #tpu.memory_space<semaphore_mem>>)
    %dma_start3A_184 = arith.constant 1 : i32
    %dma_start3A_185 = arith.constant 0 : i32
    %dma_start3A_186 = tpu.memref_slice %arg8[%dma_start3A_184, %dma_start3A_185] : memref<4x128xi32, #tpu.memory_space<vmem>> -> memref<1x128xi32, #tpu.memory_space<vmem>>
    %dma_start3A_187 = tpu.memref_squeeze %dma_start3A_186 : memref<1x128xi32, #tpu.memory_space<vmem>> -> memref<128xi32, #tpu.memory_space<vmem>>
    %dma_start3A_188 = arith.constant 0 : i32
    %dma_start3A_189 = arith.constant 0 : i32
    %dma_start3A_190 = tpu.memref_slice %arg3[%dma_start3A_188, %dma_start3A_189] : memref<100000x128xf32, #tpu.memory_space<hbm>> -> memref<100000x128xf32, #tpu.memory_space<hbm>>
    tpu.enqueue_indirect_dma source(%dma_start3A_190 : memref<100000x128xf32, #tpu.memory_space<hbm>>) target(%arg12 : memref<128x128xf32, #tpu.memory_space<vmem>>) offsets(%dma_start3A_187 : memref<128xi32, #tpu.memory_space<vmem>>) semaphore(%arg15 : memref<!tpu.dma_semaphore, #tpu.memory_space<semaphore_mem>>)
    %dma_wait3A_191 = arith.constant 0 : i32
    %dma_wait3A_192 = arith.constant 0 : i32
    %dma_wait3A_193 = tpu.memref_slice %arg7[%dma_wait3A_191, %dma_wait3A_192] : memref<4x128xi32, #tpu.memory_space<vmem>> -> memref<1x128xi32, #tpu.memory_space<vmem>>
    %dma_wait3A_194 = tpu.memref_squeeze %dma_wait3A_193 : memref<1x128xi32, #tpu.memory_space<vmem>> -> memref<128xi32, #tpu.memory_space<vmem>>
    %dma_wait3A_195 = arith.constant 0 : i32
    %dma_wait3A_196 = arith.constant 0 : i32
    %dma_wait3A_197 = tpu.memref_slice %arg2[%dma_wait3A_195, %dma_wait3A_196] : memref<100000x128xf32, #tpu.memory_space<hbm>> -> memref<100000x128xf32, #tpu.memory_space<hbm>>
    tpu.wait_indirect_dma semaphore(%arg14 : memref<!tpu.dma_semaphore, #tpu.memory_space<semaphore_mem>>) src(%dma_wait3A_197 : memref<100000x128xf32, #tpu.memory_space<hbm>>) dst(%arg9 : memref<128x128xf32, #tpu.memory_space<vmem>>)
    %dma_wait3A_198 = arith.constant 0 : i32
    %dma_wait3A_199 = arith.constant 0 : i32
    %dma_wait3A_200 = tpu.memref_slice %arg8[%dma_wait3A_198, %dma_wait3A_199] : memref<4x128xi32, #tpu.memory_space<vmem>> -> memref<1x128xi32, #tpu.memory_space<vmem>>
    %dma_wait3A_201 = tpu.memref_squeeze %dma_wait3A_200 : memref<1x128xi32, #tpu.memory_space<vmem>> -> memref<128xi32, #tpu.memory_space<vmem>>
    %dma_wait3A_202 = arith.constant 0 : i32
    %dma_wait3A_203 = arith.constant 0 : i32
    %dma_wait3A_204 = tpu.memref_slice %arg3[%dma_wait3A_202, %dma_wait3A_203] : memref<100000x128xf32, #tpu.memory_space<hbm>> -> memref<100000x128xf32, #tpu.memory_space<hbm>>
    tpu.wait_indirect_dma semaphore(%arg14 : memref<!tpu.dma_semaphore, #tpu.memory_space<semaphore_mem>>) src(%dma_wait3A_204 : memref<100000x128xf32, #tpu.memory_space<hbm>>) dst(%arg11 : memref<128x128xf32, #tpu.memory_space<vmem>>)
    %parallel_loop3A = arith.constant 0 : i32
    %parallel_loop3A_205 = arith.constant 128 : i32
    %parallel_loop3A_206 = arith.constant 1 : i32
    scf.for %parallel_loop3A_286 = %parallel_loop3A to %parallel_loop3A_205 step %parallel_loop3A_206  : i32 {
      %parallel_loop3A_287 = arith.index_cast %parallel_loop3A_286 : i32 to index
      %parallel_loop3A_288 = arith.constant 0 : index
      %parallel_loop3A_289 = tpu.vector_load %arg9[%parallel_loop3A_287, %parallel_loop3A_288] {strides = array<i32>} : memref<128x128xf32, #tpu.memory_space<vmem>>, vector<16xf32>,
      %parallel_loop3A_290 = arith.index_cast %parallel_loop3A_286 : i32 to index
      %parallel_loop3A_291 = arith.constant 0 : index
      %parallel_loop3A_292 = tpu.vector_load %arg11[%parallel_loop3A_290, %parallel_loop3A_291] {strides = array<i32>} : memref<128x128xf32, #tpu.memory_space<vmem>>, vector<16xf32>,
      %parallel_loop3A_293 = arith.mulf %parallel_loop3A_289, %parallel_loop3A_292 : vector<16xf32>
      %parallel_loop3A_294 = arith.index_cast %parallel_loop3A_286 : i32 to index
      %parallel_loop3A_295 = arith.constant 16 : index
      %parallel_loop3A_296 = tpu.vector_load %arg9[%parallel_loop3A_294, %parallel_loop3A_295] {strides = array<i32>} : memref<128x128xf32, #tpu.memory_space<vmem>>, vector<16xf32>,
      %parallel_loop3A_297 = arith.index_cast %parallel_loop3A_286 : i32 to index
      %parallel_loop3A_298 = arith.constant 16 : index
      %parallel_loop3A_299 = tpu.vector_load %arg11[%parallel_loop3A_297, %parallel_loop3A_298] {strides = array<i32>} : memref<128x128xf32, #tpu.memory_space<vmem>>, vector<16xf32>,
      %parallel_loop3A_300 = arith.mulf %parallel_loop3A_296, %parallel_loop3A_299 : vector<16xf32>
      %parallel_loop3A_301 = arith.index_cast %parallel_loop3A_286 : i32 to index
      %parallel_loop3A_302 = arith.constant 32 : index
      %parallel_loop3A_303 = tpu.vector_load %arg9[%parallel_loop3A_301, %parallel_loop3A_302] {strides = array<i32>} : memref<128x128xf32, #tpu.memory_space<vmem>>, vector<16xf32>,
      %parallel_loop3A_304 = arith.index_cast %parallel_loop3A_286 : i32 to index
      %parallel_loop3A_305 = arith.constant 32 : index
      %parallel_loop3A_306 = tpu.vector_load %arg11[%parallel_loop3A_304, %parallel_loop3A_305] {strides = array<i32>} : memref<128x128xf32, #tpu.memory_space<vmem>>, vector<16xf32>,
      %parallel_loop3A_307 = arith.mulf %parallel_loop3A_303, %parallel_loop3A_306 : vector<16xf32>
      %parallel_loop3A_308 = arith.index_cast %parallel_loop3A_286 : i32 to index
      %parallel_loop3A_309 = arith.constant 48 : index
      %parallel_loop3A_310 = tpu.vector_load %arg9[%parallel_loop3A_308, %parallel_loop3A_309] {strides = array<i32>} : memref<128x128xf32, #tpu.memory_space<vmem>>, vector<16xf32>,
      %parallel_loop3A_311 = arith.index_cast %parallel_loop3A_286 : i32 to index
      %parallel_loop3A_312 = arith.constant 48 : index
      %parallel_loop3A_313 = tpu.vector_load %arg11[%parallel_loop3A_311, %parallel_loop3A_312] {strides = array<i32>} : memref<128x128xf32, #tpu.memory_space<vmem>>, vector<16xf32>,
      %parallel_loop3A_314 = arith.mulf %parallel_loop3A_310, %parallel_loop3A_313 : vector<16xf32>
      %parallel_loop3A_315 = arith.index_cast %parallel_loop3A_286 : i32 to index
      %parallel_loop3A_316 = arith.constant 64 : index
      %parallel_loop3A_317 = tpu.vector_load %arg9[%parallel_loop3A_315, %parallel_loop3A_316] {strides = array<i32>} : memref<128x128xf32, #tpu.memory_space<vmem>>, vector<16xf32>,
      %parallel_loop3A_318 = arith.index_cast %parallel_loop3A_286 : i32 to index
      %parallel_loop3A_319 = arith.constant 64 : index
      %parallel_loop3A_320 = tpu.vector_load %arg11[%parallel_loop3A_318, %parallel_loop3A_319] {strides = array<i32>} : memref<128x128xf32, #tpu.memory_space<vmem>>, vector<16xf32>,
      %parallel_loop3A_321 = arith.mulf %parallel_loop3A_317, %parallel_loop3A_320 : vector<16xf32>
      %parallel_loop3A_322 = arith.index_cast %parallel_loop3A_286 : i32 to index
      %parallel_loop3A_323 = arith.constant 80 : index
      %parallel_loop3A_324 = tpu.vector_load %arg9[%parallel_loop3A_322, %parallel_loop3A_323] {strides = array<i32>} : memref<128x128xf32, #tpu.memory_space<vmem>>, vector<16xf32>,
      %parallel_loop3A_325 = arith.index_cast %parallel_loop3A_286 : i32 to index
      %parallel_loop3A_326 = arith.constant 80 : index
      %parallel_loop3A_327 = tpu.vector_load %arg11[%parallel_loop3A_325, %parallel_loop3A_326] {strides = array<i32>} : memref<128x128xf32, #tpu.memory_space<vmem>>, vector<16xf32>,
      %parallel_loop3A_328 = arith.mulf %parallel_loop3A_324, %parallel_loop3A_327 : vector<16xf32>
      %parallel_loop3A_329 = arith.index_cast %parallel_loop3A_286 : i32 to index
      %parallel_loop3A_330 = arith.constant 96 : index
      %parallel_loop3A_331 = tpu.vector_load %arg9[%parallel_loop3A_329, %parallel_loop3A_330] {strides = array<i32>} : memref<128x128xf32, #tpu.memory_space<vmem>>, vector<16xf32>,
      %parallel_loop3A_332 = arith.index_cast %parallel_loop3A_286 : i32 to index
      %parallel_loop3A_333 = arith.constant 96 : index
      %parallel_loop3A_334 = tpu.vector_load %arg11[%parallel_loop3A_332, %parallel_loop3A_333] {strides = array<i32>} : memref<128x128xf32, #tpu.memory_space<vmem>>, vector<16xf32>,
      %parallel_loop3A_335 = arith.mulf %parallel_loop3A_331, %parallel_loop3A_334 : vector<16xf32>
      %parallel_loop3A_336 = arith.index_cast %parallel_loop3A_286 : i32 to index
      %parallel_loop3A_337 = arith.constant 112 : index
      %parallel_loop3A_338 = tpu.vector_load %arg9[%parallel_loop3A_336, %parallel_loop3A_337] {strides = array<i32>} : memref<128x128xf32, #tpu.memory_space<vmem>>, vector<16xf32>,
      %parallel_loop3A_339 = arith.index_cast %parallel_loop3A_286 : i32 to index
      %parallel_loop3A_340 = arith.constant 112 : index
      %parallel_loop3A_341 = tpu.vector_load %arg11[%parallel_loop3A_339, %parallel_loop3A_340] {strides = array<i32>} : memref<128x128xf32, #tpu.memory_space<vmem>>, vector<16xf32>,
      %parallel_loop3A_342 = arith.mulf %parallel_loop3A_338, %parallel_loop3A_341 : vector<16xf32>
      %parallel_loop3A_343 = arith.addf %parallel_loop3A_293, %parallel_loop3A_300 : vector<16xf32>
      %parallel_loop3A_344 = arith.addf %parallel_loop3A_307, %parallel_loop3A_314 : vector<16xf32>
      %parallel_loop3A_345 = arith.addf %parallel_loop3A_321, %parallel_loop3A_328 : vector<16xf32>
      %parallel_loop3A_346 = arith.addf %parallel_loop3A_335, %parallel_loop3A_342 : vector<16xf32>
      %parallel_loop3A_347 = arith.addf %parallel_loop3A_343, %parallel_loop3A_344 : vector<16xf32>
      %parallel_loop3A_348 = arith.addf %parallel_loop3A_345, %parallel_loop3A_346 : vector<16xf32>
      %parallel_loop3A_349 = arith.addf %parallel_loop3A_347, %parallel_loop3A_348 : vector<16xf32>
      %parallel_loop3A_350 = arith.constant true
      %parallel_loop3A_351 = vector.broadcast %parallel_loop3A_350 : i1 to vector<16xi1>
      %parallel_loop3A_352 = tpu.scan <sum>, %parallel_loop3A_349 masked %parallel_loop3A_351 : vector<16xf32>, vector<16xi1> -> vector<16xf32>
      %parallel_loop3A_353 = arith.constant 0 : i32
      %parallel_loop3A_354 = arith.addi %parallel_loop3A_353, %parallel_loop3A_286 : i32
      %parallel_loop3A_355 = arith.index_cast %parallel_loop3A_354 : i32 to index
      %parallel_loop3A_356 = tpu.vector_load %arg13[%parallel_loop3A_355] masked %eq3A_176 {strides = array<i32>} : memref<528xf32, #tpu.memory_space<vmem>>, vector<16xf32>, vector<16xi1>
      tpu.vector_store %arg13[%parallel_loop3A_355], %parallel_loop3A_352 masked %eq3A_176 {strides = array<i32>} : memref<528xf32, #tpu.memory_space<vmem>>, vector<16xf32>, vector<16xi1>
    } {sc.loop_unroll_factor = 1 : i64, sc.parallel_access}
    %dma_start3A_207 = arith.constant 2 : i32
    %dma_start3A_208 = arith.constant 0 : i32
    %dma_start3A_209 = tpu.memref_slice %arg7[%dma_start3A_207, %dma_start3A_208] : memref<4x128xi32, #tpu.memory_space<vmem>> -> memref<1x128xi32, #tpu.memory_space<vmem>>
    %dma_start3A_210 = tpu.memref_squeeze %dma_start3A_209 : memref<1x128xi32, #tpu.memory_space<vmem>> -> memref<128xi32, #tpu.memory_space<vmem>>
    %dma_start3A_211 = arith.constant 0 : i32
    %dma_start3A_212 = arith.constant 0 : i32
    %dma_start3A_213 = tpu.memref_slice %arg2[%dma_start3A_211, %dma_start3A_212] : memref<100000x128xf32, #tpu.memory_space<hbm>> -> memref<100000x128xf32, #tpu.memory_space<hbm>>
    tpu.enqueue_indirect_dma source(%dma_start3A_213 : memref<100000x128xf32, #tpu.memory_space<hbm>>) target(%arg9 : memref<128x128xf32, #tpu.memory_space<vmem>>) offsets(%dma_start3A_210 : memref<128xi32, #tpu.memory_space<vmem>>) semaphore(%arg14 : memref<!tpu.dma_semaphore, #tpu.memory_space<semaphore_mem>>)
    %dma_start3A_214 = arith.constant 2 : i32
    %dma_start3A_215 = arith.constant 0 : i32
    %dma_start3A_216 = tpu.memref_slice %arg8[%dma_start3A_214, %dma_start3A_215] : memref<4x128xi32, #tpu.memory_space<vmem>> -> memref<1x128xi32, #tpu.memory_space<vmem>>
    %dma_start3A_217 = tpu.memref_squeeze %dma_start3A_216 : memref<1x128xi32, #tpu.memory_space<vmem>> -> memref<128xi32, #tpu.memory_space<vmem>>
    %dma_start3A_218 = arith.constant 0 : i32
    %dma_start3A_219 = arith.constant 0 : i32
    %dma_start3A_220 = tpu.memref_slice %arg3[%dma_start3A_218, %dma_start3A_219] : memref<100000x128xf32, #tpu.memory_space<hbm>> -> memref<100000x128xf32, #tpu.memory_space<hbm>>
    tpu.enqueue_indirect_dma source(%dma_start3A_220 : memref<100000x128xf32, #tpu.memory_space<hbm>>) target(%arg11 : memref<128x128xf32, #tpu.memory_space<vmem>>) offsets(%dma_start3A_217 : memref<128xi32, #tpu.memory_space<vmem>>) semaphore(%arg14 : memref<!tpu.dma_semaphore, #tpu.memory_space<semaphore_mem>>)
    %dma_wait3A_221 = arith.constant 1 : i32
    %dma_wait3A_222 = arith.constant 0 : i32
    %dma_wait3A_223 = tpu.memref_slice %arg7[%dma_wait3A_221, %dma_wait3A_222] : memref<4x128xi32, #tpu.memory_space<vmem>> -> memref<1x128xi32, #tpu.memory_space<vmem>>
    %dma_wait3A_224 = tpu.memref_squeeze %dma_wait3A_223 : memref<1x128xi32, #tpu.memory_space<vmem>> -> memref<128xi32, #tpu.memory_space<vmem>>
    %dma_wait3A_225 = arith.constant 0 : i32
    %dma_wait3A_226 = arith.constant 0 : i32
    %dma_wait3A_227 = tpu.memref_slice %arg2[%dma_wait3A_225, %dma_wait3A_226] : memref<100000x128xf32, #tpu.memory_space<hbm>> -> memref<100000x128xf32, #tpu.memory_space<hbm>>
    tpu.wait_indirect_dma semaphore(%arg15 : memref<!tpu.dma_semaphore, #tpu.memory_space<semaphore_mem>>) src(%dma_wait3A_227 : memref<100000x128xf32, #tpu.memory_space<hbm>>) dst(%arg10 : memref<128x128xf32, #tpu.memory_space<vmem>>)
    %dma_wait3A_228 = arith.constant 1 : i32
    %dma_wait3A_229 = arith.constant 0 : i32
    %dma_wait3A_230 = tpu.memref_slice %arg8[%dma_wait3A_228, %dma_wait3A_229] : memref<4x128xi32, #tpu.memory_space<vmem>> -> memref<1x128xi32, #tpu.memory_space<vmem>>
    %dma_wait3A_231 = tpu.memref_squeeze %dma_wait3A_230 : memref<1x128xi32, #tpu.memory_space<vmem>> -> memref<128xi32, #tpu.memory_space<vmem>>
    %dma_wait3A_232 = arith.constant 0 : i32
    %dma_wait3A_233 = arith.constant 0 : i32
    %dma_wait3A_234 = tpu.memref_slice %arg3[%dma_wait3A_232, %dma_wait3A_233] : memref<100000x128xf32, #tpu.memory_space<hbm>> -> memref<100000x128xf32, #tpu.memory_space<hbm>>
    tpu.wait_indirect_dma semaphore(%arg15 : memref<!tpu.dma_semaphore, #tpu.memory_space<semaphore_mem>>) src(%dma_wait3A_234 : memref<100000x128xf32, #tpu.memory_space<hbm>>) dst(%arg12 : memref<128x128xf32, #tpu.memory_space<vmem>>)
    %parallel_loop3A_235 = arith.constant 0 : i32
    %parallel_loop3A_236 = arith.constant 128 : i32
    %parallel_loop3A_237 = arith.constant 1 : i32
    scf.for %parallel_loop3A_286 = %parallel_loop3A_235 to %parallel_loop3A_236 step %parallel_loop3A_237  : i32 {
      %parallel_loop3A_287 = arith.index_cast %parallel_loop3A_286 : i32 to index
      %parallel_loop3A_288 = arith.constant 0 : index
      %parallel_loop3A_289 = tpu.vector_load %arg10[%parallel_loop3A_287, %parallel_loop3A_288] {strides = array<i32>} : memref<128x128xf32, #tpu.memory_space<vmem>>, vector<16xf32>,
      %parallel_loop3A_290 = arith.index_cast %parallel_loop3A_286 : i32 to index
      %parallel_loop3A_291 = arith.constant 0 : index
      %parallel_loop3A_292 = tpu.vector_load %arg12[%parallel_loop3A_290, %parallel_loop3A_291] {strides = array<i32>} : memref<128x128xf32, #tpu.memory_space<vmem>>, vector<16xf32>,
      %parallel_loop3A_293 = arith.mulf %parallel_loop3A_289, %parallel_loop3A_292 : vector<16xf32>
      %parallel_loop3A_294 = arith.index_cast %parallel_loop3A_286 : i32 to index
      %parallel_loop3A_295 = arith.constant 16 : index
      %parallel_loop3A_296 = tpu.vector_load %arg10[%parallel_loop3A_294, %parallel_loop3A_295] {strides = array<i32>} : memref<128x128xf32, #tpu.memory_space<vmem>>, vector<16xf32>,
      %parallel_loop3A_297 = arith.index_cast %parallel_loop3A_286 : i32 to index
      %parallel_loop3A_298 = arith.constant 16 : index
      %parallel_loop3A_299 = tpu.vector_load %arg12[%parallel_loop3A_297, %parallel_loop3A_298] {strides = array<i32>} : memref<128x128xf32, #tpu.memory_space<vmem>>, vector<16xf32>,
      %parallel_loop3A_300 = arith.mulf %parallel_loop3A_296, %parallel_loop3A_299 : vector<16xf32>
      %parallel_loop3A_301 = arith.index_cast %parallel_loop3A_286 : i32 to index
      %parallel_loop3A_302 = arith.constant 32 : index
      %parallel_loop3A_303 = tpu.vector_load %arg10[%parallel_loop3A_301, %parallel_loop3A_302] {strides = array<i32>} : memref<128x128xf32, #tpu.memory_space<vmem>>, vector<16xf32>,
      %parallel_loop3A_304 = arith.index_cast %parallel_loop3A_286 : i32 to index
      %parallel_loop3A_305 = arith.constant 32 : index
      %parallel_loop3A_306 = tpu.vector_load %arg12[%parallel_loop3A_304, %parallel_loop3A_305] {strides = array<i32>} : memref<128x128xf32, #tpu.memory_space<vmem>>, vector<16xf32>,
      %parallel_loop3A_307 = arith.mulf %parallel_loop3A_303, %parallel_loop3A_306 : vector<16xf32>
      %parallel_loop3A_308 = arith.index_cast %parallel_loop3A_286 : i32 to index
      %parallel_loop3A_309 = arith.constant 48 : index
      %parallel_loop3A_310 = tpu.vector_load %arg10[%parallel_loop3A_308, %parallel_loop3A_309] {strides = array<i32>} : memref<128x128xf32, #tpu.memory_space<vmem>>, vector<16xf32>,
      %parallel_loop3A_311 = arith.index_cast %parallel_loop3A_286 : i32 to index
      %parallel_loop3A_312 = arith.constant 48 : index
      %parallel_loop3A_313 = tpu.vector_load %arg12[%parallel_loop3A_311, %parallel_loop3A_312] {strides = array<i32>} : memref<128x128xf32, #tpu.memory_space<vmem>>, vector<16xf32>,
      %parallel_loop3A_314 = arith.mulf %parallel_loop3A_310, %parallel_loop3A_313 : vector<16xf32>
      %parallel_loop3A_315 = arith.index_cast %parallel_loop3A_286 : i32 to index
      %parallel_loop3A_316 = arith.constant 64 : index
      %parallel_loop3A_317 = tpu.vector_load %arg10[%parallel_loop3A_315, %parallel_loop3A_316] {strides = array<i32>} : memref<128x128xf32, #tpu.memory_space<vmem>>, vector<16xf32>,
      %parallel_loop3A_318 = arith.index_cast %parallel_loop3A_286 : i32 to index
      %parallel_loop3A_319 = arith.constant 64 : index
      %parallel_loop3A_320 = tpu.vector_load %arg12[%parallel_loop3A_318, %parallel_loop3A_319] {strides = array<i32>} : memref<128x128xf32, #tpu.memory_space<vmem>>, vector<16xf32>,
      %parallel_loop3A_321 = arith.mulf %parallel_loop3A_317, %parallel_loop3A_320 : vector<16xf32>
      %parallel_loop3A_322 = arith.index_cast %parallel_loop3A_286 : i32 to index
      %parallel_loop3A_323 = arith.constant 80 : index
      %parallel_loop3A_324 = tpu.vector_load %arg10[%parallel_loop3A_322, %parallel_loop3A_323] {strides = array<i32>} : memref<128x128xf32, #tpu.memory_space<vmem>>, vector<16xf32>,
      %parallel_loop3A_325 = arith.index_cast %parallel_loop3A_286 : i32 to index
      %parallel_loop3A_326 = arith.constant 80 : index
      %parallel_loop3A_327 = tpu.vector_load %arg12[%parallel_loop3A_325, %parallel_loop3A_326] {strides = array<i32>} : memref<128x128xf32, #tpu.memory_space<vmem>>, vector<16xf32>,
      %parallel_loop3A_328 = arith.mulf %parallel_loop3A_324, %parallel_loop3A_327 : vector<16xf32>
      %parallel_loop3A_329 = arith.index_cast %parallel_loop3A_286 : i32 to index
      %parallel_loop3A_330 = arith.constant 96 : index
      %parallel_loop3A_331 = tpu.vector_load %arg10[%parallel_loop3A_329, %parallel_loop3A_330] {strides = array<i32>} : memref<128x128xf32, #tpu.memory_space<vmem>>, vector<16xf32>,
      %parallel_loop3A_332 = arith.index_cast %parallel_loop3A_286 : i32 to index
      %parallel_loop3A_333 = arith.constant 96 : index
      %parallel_loop3A_334 = tpu.vector_load %arg12[%parallel_loop3A_332, %parallel_loop3A_333] {strides = array<i32>} : memref<128x128xf32, #tpu.memory_space<vmem>>, vector<16xf32>,
      %parallel_loop3A_335 = arith.mulf %parallel_loop3A_331, %parallel_loop3A_334 : vector<16xf32>
      %parallel_loop3A_336 = arith.index_cast %parallel_loop3A_286 : i32 to index
      %parallel_loop3A_337 = arith.constant 112 : index
      %parallel_loop3A_338 = tpu.vector_load %arg10[%parallel_loop3A_336, %parallel_loop3A_337] {strides = array<i32>} : memref<128x128xf32, #tpu.memory_space<vmem>>, vector<16xf32>,
      %parallel_loop3A_339 = arith.index_cast %parallel_loop3A_286 : i32 to index
      %parallel_loop3A_340 = arith.constant 112 : index
      %parallel_loop3A_341 = tpu.vector_load %arg12[%parallel_loop3A_339, %parallel_loop3A_340] {strides = array<i32>} : memref<128x128xf32, #tpu.memory_space<vmem>>, vector<16xf32>,
      %parallel_loop3A_342 = arith.mulf %parallel_loop3A_338, %parallel_loop3A_341 : vector<16xf32>
      %parallel_loop3A_343 = arith.addf %parallel_loop3A_293, %parallel_loop3A_300 : vector<16xf32>
      %parallel_loop3A_344 = arith.addf %parallel_loop3A_307, %parallel_loop3A_314 : vector<16xf32>
      %parallel_loop3A_345 = arith.addf %parallel_loop3A_321, %parallel_loop3A_328 : vector<16xf32>
      %parallel_loop3A_346 = arith.addf %parallel_loop3A_335, %parallel_loop3A_342 : vector<16xf32>
      %parallel_loop3A_347 = arith.addf %parallel_loop3A_343, %parallel_loop3A_344 : vector<16xf32>
      %parallel_loop3A_348 = arith.addf %parallel_loop3A_345, %parallel_loop3A_346 : vector<16xf32>
      %parallel_loop3A_349 = arith.addf %parallel_loop3A_347, %parallel_loop3A_348 : vector<16xf32>
      %parallel_loop3A_350 = arith.constant true
      %parallel_loop3A_351 = vector.broadcast %parallel_loop3A_350 : i1 to vector<16xi1>
      %parallel_loop3A_352 = tpu.scan <sum>, %parallel_loop3A_349 masked %parallel_loop3A_351 : vector<16xf32>, vector<16xi1> -> vector<16xf32>
      %parallel_loop3A_353 = arith.constant 128 : i32
      %parallel_loop3A_354 = arith.addi %parallel_loop3A_353, %parallel_loop3A_286 : i32
      %parallel_loop3A_355 = arith.index_cast %parallel_loop3A_354 : i32 to index
      %parallel_loop3A_356 = tpu.vector_load %arg13[%parallel_loop3A_355] masked %eq3A_176 {strides = array<i32>} : memref<528xf32, #tpu.memory_space<vmem>>, vector<16xf32>, vector<16xi1>
      tpu.vector_store %arg13[%parallel_loop3A_355], %parallel_loop3A_352 masked %eq3A_176 {strides = array<i32>} : memref<528xf32, #tpu.memory_space<vmem>>, vector<16xf32>, vector<16xi1>
    } {sc.loop_unroll_factor = 1 : i64, sc.parallel_access}
    %dma_start3A_238 = arith.constant 3 : i32
    %dma_start3A_239 = arith.constant 0 : i32
    %dma_start3A_240 = tpu.memref_slice %arg7[%dma_start3A_238, %dma_start3A_239] : memref<4x128xi32, #tpu.memory_space<vmem>> -> memref<1x128xi32, #tpu.memory_space<vmem>>
    %dma_start3A_241 = tpu.memref_squeeze %dma_start3A_240 : memref<1x128xi32, #tpu.memory_space<vmem>> -> memref<128xi32, #tpu.memory_space<vmem>>
    %dma_start3A_242 = arith.constant 0 : i32
    %dma_start3A_243 = arith.constant 0 : i32
    %dma_start3A_244 = tpu.memref_slice %arg2[%dma_start3A_242, %dma_start3A_243] : memref<100000x128xf32, #tpu.memory_space<hbm>> -> memref<100000x128xf32, #tpu.memory_space<hbm>>
    tpu.enqueue_indirect_dma source(%dma_start3A_244 : memref<100000x128xf32, #tpu.memory_space<hbm>>) target(%arg10 : memref<128x128xf32, #tpu.memory_space<vmem>>) offsets(%dma_start3A_241 : memref<128xi32, #tpu.memory_space<vmem>>) semaphore(%arg15 : memref<!tpu.dma_semaphore, #tpu.memory_space<semaphore_mem>>)
    %dma_start3A_245 = arith.constant 3 : i32
    %dma_start3A_246 = arith.constant 0 : i32
    %dma_start3A_247 = tpu.memref_slice %arg8[%dma_start3A_245, %dma_start3A_246] : memref<4x128xi32, #tpu.memory_space<vmem>> -> memref<1x128xi32, #tpu.memory_space<vmem>>
    %dma_start3A_248 = tpu.memref_squeeze %dma_start3A_247 : memref<1x128xi32, #tpu.memory_space<vmem>> -> memref<128xi32, #tpu.memory_space<vmem>>
    %dma_start3A_249 = arith.constant 0 : i32
    %dma_start3A_250 = arith.constant 0 : i32
    %dma_start3A_251 = tpu.memref_slice %arg3[%dma_start3A_249, %dma_start3A_250] : memref<100000x128xf32, #tpu.memory_space<hbm>> -> memref<100000x128xf32, #tpu.memory_space<hbm>>
    tpu.enqueue_indirect_dma source(%dma_start3A_251 : memref<100000x128xf32, #tpu.memory_space<hbm>>) target(%arg12 : memref<128x128xf32, #tpu.memory_space<vmem>>) offsets(%dma_start3A_248 : memref<128xi32, #tpu.memory_space<vmem>>) semaphore(%arg15 : memref<!tpu.dma_semaphore, #tpu.memory_space<semaphore_mem>>)
    %dma_wait3A_252 = arith.constant 2 : i32
    %dma_wait3A_253 = arith.constant 0 : i32
    %dma_wait3A_254 = tpu.memref_slice %arg7[%dma_wait3A_252, %dma_wait3A_253] : memref<4x128xi32, #tpu.memory_space<vmem>> -> memref<1x128xi32, #tpu.memory_space<vmem>>
    %dma_wait3A_255 = tpu.memref_squeeze %dma_wait3A_254 : memref<1x128xi32, #tpu.memory_space<vmem>> -> memref<128xi32, #tpu.memory_space<vmem>>
    %dma_wait3A_256 = arith.constant 0 : i32
    %dma_wait3A_257 = arith.constant 0 : i32
    %dma_wait3A_258 = tpu.memref_slice %arg2[%dma_wait3A_256, %dma_wait3A_257] : memref<100000x128xf32, #tpu.memory_space<hbm>> -> memref<100000x128xf32, #tpu.memory_space<hbm>>
    tpu.wait_indirect_dma semaphore(%arg14 : memref<!tpu.dma_semaphore, #tpu.memory_space<semaphore_mem>>) src(%dma_wait3A_258 : memref<100000x128xf32, #tpu.memory_space<hbm>>) dst(%arg9 : memref<128x128xf32, #tpu.memory_space<vmem>>)
    %dma_wait3A_259 = arith.constant 2 : i32
    %dma_wait3A_260 = arith.constant 0 : i32
    %dma_wait3A_261 = tpu.memref_slice %arg8[%dma_wait3A_259, %dma_wait3A_260] : memref<4x128xi32, #tpu.memory_space<vmem>> -> memref<1x128xi32, #tpu.memory_space<vmem>>
    %dma_wait3A_262 = tpu.memref_squeeze %dma_wait3A_261 : memref<1x128xi32, #tpu.memory_space<vmem>> -> memref<128xi32, #tpu.memory_space<vmem>>
    %dma_wait3A_263 = arith.constant 0 : i32
    %dma_wait3A_264 = arith.constant 0 : i32
    %dma_wait3A_265 = tpu.memref_slice %arg3[%dma_wait3A_263, %dma_wait3A_264] : memref<100000x128xf32, #tpu.memory_space<hbm>> -> memref<100000x128xf32, #tpu.memory_space<hbm>>
    tpu.wait_indirect_dma semaphore(%arg14 : memref<!tpu.dma_semaphore, #tpu.memory_space<semaphore_mem>>) src(%dma_wait3A_265 : memref<100000x128xf32, #tpu.memory_space<hbm>>) dst(%arg11 : memref<128x128xf32, #tpu.memory_space<vmem>>)
    %parallel_loop3A_266 = arith.constant 0 : i32
    %parallel_loop3A_267 = arith.constant 128 : i32
    %parallel_loop3A_268 = arith.constant 1 : i32
    scf.for %parallel_loop3A_286 = %parallel_loop3A_266 to %parallel_loop3A_267 step %parallel_loop3A_268  : i32 {
      %parallel_loop3A_287 = arith.index_cast %parallel_loop3A_286 : i32 to index
      %parallel_loop3A_288 = arith.constant 0 : index
      %parallel_loop3A_289 = tpu.vector_load %arg9[%parallel_loop3A_287, %parallel_loop3A_288] {strides = array<i32>} : memref<128x128xf32, #tpu.memory_space<vmem>>, vector<16xf32>,
      %parallel_loop3A_290 = arith.index_cast %parallel_loop3A_286 : i32 to index
      %parallel_loop3A_291 = arith.constant 0 : index
      %parallel_loop3A_292 = tpu.vector_load %arg11[%parallel_loop3A_290, %parallel_loop3A_291] {strides = array<i32>} : memref<128x128xf32, #tpu.memory_space<vmem>>, vector<16xf32>,
      %parallel_loop3A_293 = arith.mulf %parallel_loop3A_289, %parallel_loop3A_292 : vector<16xf32>
      %parallel_loop3A_294 = arith.index_cast %parallel_loop3A_286 : i32 to index
      %parallel_loop3A_295 = arith.constant 16 : index
      %parallel_loop3A_296 = tpu.vector_load %arg9[%parallel_loop3A_294, %parallel_loop3A_295] {strides = array<i32>} : memref<128x128xf32, #tpu.memory_space<vmem>>, vector<16xf32>,
      %parallel_loop3A_297 = arith.index_cast %parallel_loop3A_286 : i32 to index
      %parallel_loop3A_298 = arith.constant 16 : index
      %parallel_loop3A_299 = tpu.vector_load %arg11[%parallel_loop3A_297, %parallel_loop3A_298] {strides = array<i32>} : memref<128x128xf32, #tpu.memory_space<vmem>>, vector<16xf32>,
      %parallel_loop3A_300 = arith.mulf %parallel_loop3A_296, %parallel_loop3A_299 : vector<16xf32>
      %parallel_loop3A_301 = arith.index_cast %parallel_loop3A_286 : i32 to index
      %parallel_loop3A_302 = arith.constant 32 : index
      %parallel_loop3A_303 = tpu.vector_load %arg9[%parallel_loop3A_301, %parallel_loop3A_302] {strides = array<i32>} : memref<128x128xf32, #tpu.memory_space<vmem>>, vector<16xf32>,
      %parallel_loop3A_304 = arith.index_cast %parallel_loop3A_286 : i32 to index
      %parallel_loop3A_305 = arith.constant 32 : index
      %parallel_loop3A_306 = tpu.vector_load %arg11[%parallel_loop3A_304, %parallel_loop3A_305] {strides = array<i32>} : memref<128x128xf32, #tpu.memory_space<vmem>>, vector<16xf32>,
      %parallel_loop3A_307 = arith.mulf %parallel_loop3A_303, %parallel_loop3A_306 : vector<16xf32>
      %parallel_loop3A_308 = arith.index_cast %parallel_loop3A_286 : i32 to index
      %parallel_loop3A_309 = arith.constant 48 : index
      %parallel_loop3A_310 = tpu.vector_load %arg9[%parallel_loop3A_308, %parallel_loop3A_309] {strides = array<i32>} : memref<128x128xf32, #tpu.memory_space<vmem>>, vector<16xf32>,
      %parallel_loop3A_311 = arith.index_cast %parallel_loop3A_286 : i32 to index
      %parallel_loop3A_312 = arith.constant 48 : index
      %parallel_loop3A_313 = tpu.vector_load %arg11[%parallel_loop3A_311, %parallel_loop3A_312] {strides = array<i32>} : memref<128x128xf32, #tpu.memory_space<vmem>>, vector<16xf32>,
      %parallel_loop3A_314 = arith.mulf %parallel_loop3A_310, %parallel_loop3A_313 : vector<16xf32>
      %parallel_loop3A_315 = arith.index_cast %parallel_loop3A_286 : i32 to index
      %parallel_loop3A_316 = arith.constant 64 : index
      %parallel_loop3A_317 = tpu.vector_load %arg9[%parallel_loop3A_315, %parallel_loop3A_316] {strides = array<i32>} : memref<128x128xf32, #tpu.memory_space<vmem>>, vector<16xf32>,
      %parallel_loop3A_318 = arith.index_cast %parallel_loop3A_286 : i32 to index
      %parallel_loop3A_319 = arith.constant 64 : index
      %parallel_loop3A_320 = tpu.vector_load %arg11[%parallel_loop3A_318, %parallel_loop3A_319] {strides = array<i32>} : memref<128x128xf32, #tpu.memory_space<vmem>>, vector<16xf32>,
      %parallel_loop3A_321 = arith.mulf %parallel_loop3A_317, %parallel_loop3A_320 : vector<16xf32>
      %parallel_loop3A_322 = arith.index_cast %parallel_loop3A_286 : i32 to index
      %parallel_loop3A_323 = arith.constant 80 : index
      %parallel_loop3A_324 = tpu.vector_load %arg9[%parallel_loop3A_322, %parallel_loop3A_323] {strides = array<i32>} : memref<128x128xf32, #tpu.memory_space<vmem>>, vector<16xf32>,
      %parallel_loop3A_325 = arith.index_cast %parallel_loop3A_286 : i32 to index
      %parallel_loop3A_326 = arith.constant 80 : index
      %parallel_loop3A_327 = tpu.vector_load %arg11[%parallel_loop3A_325, %parallel_loop3A_326] {strides = array<i32>} : memref<128x128xf32, #tpu.memory_space<vmem>>, vector<16xf32>,
      %parallel_loop3A_328 = arith.mulf %parallel_loop3A_324, %parallel_loop3A_327 : vector<16xf32>
      %parallel_loop3A_329 = arith.index_cast %parallel_loop3A_286 : i32 to index
      %parallel_loop3A_330 = arith.constant 96 : index
      %parallel_loop3A_331 = tpu.vector_load %arg9[%parallel_loop3A_329, %parallel_loop3A_330] {strides = array<i32>} : memref<128x128xf32, #tpu.memory_space<vmem>>, vector<16xf32>,
      %parallel_loop3A_332 = arith.index_cast %parallel_loop3A_286 : i32 to index
      %parallel_loop3A_333 = arith.constant 96 : index
      %parallel_loop3A_334 = tpu.vector_load %arg11[%parallel_loop3A_332, %parallel_loop3A_333] {strides = array<i32>} : memref<128x128xf32, #tpu.memory_space<vmem>>, vector<16xf32>,
      %parallel_loop3A_335 = arith.mulf %parallel_loop3A_331, %parallel_loop3A_334 : vector<16xf32>
      %parallel_loop3A_336 = arith.index_cast %parallel_loop3A_286 : i32 to index
      %parallel_loop3A_337 = arith.constant 112 : index
      %parallel_loop3A_338 = tpu.vector_load %arg9[%parallel_loop3A_336, %parallel_loop3A_337] {strides = array<i32>} : memref<128x128xf32, #tpu.memory_space<vmem>>, vector<16xf32>,
      %parallel_loop3A_339 = arith.index_cast %parallel_loop3A_286 : i32 to index
      %parallel_loop3A_340 = arith.constant 112 : index
      %parallel_loop3A_341 = tpu.vector_load %arg11[%parallel_loop3A_339, %parallel_loop3A_340] {strides = array<i32>} : memref<128x128xf32, #tpu.memory_space<vmem>>, vector<16xf32>,
      %parallel_loop3A_342 = arith.mulf %parallel_loop3A_338, %parallel_loop3A_341 : vector<16xf32>
      %parallel_loop3A_343 = arith.addf %parallel_loop3A_293, %parallel_loop3A_300 : vector<16xf32>
      %parallel_loop3A_344 = arith.addf %parallel_loop3A_307, %parallel_loop3A_314 : vector<16xf32>
      %parallel_loop3A_345 = arith.addf %parallel_loop3A_321, %parallel_loop3A_328 : vector<16xf32>
      %parallel_loop3A_346 = arith.addf %parallel_loop3A_335, %parallel_loop3A_342 : vector<16xf32>
      %parallel_loop3A_347 = arith.addf %parallel_loop3A_343, %parallel_loop3A_344 : vector<16xf32>
      %parallel_loop3A_348 = arith.addf %parallel_loop3A_345, %parallel_loop3A_346 : vector<16xf32>
      %parallel_loop3A_349 = arith.addf %parallel_loop3A_347, %parallel_loop3A_348 : vector<16xf32>
      %parallel_loop3A_350 = arith.constant true
      %parallel_loop3A_351 = vector.broadcast %parallel_loop3A_350 : i1 to vector<16xi1>
      %parallel_loop3A_352 = tpu.scan <sum>, %parallel_loop3A_349 masked %parallel_loop3A_351 : vector<16xf32>, vector<16xi1> -> vector<16xf32>
      %parallel_loop3A_353 = arith.constant 256 : i32
      %parallel_loop3A_354 = arith.addi %parallel_loop3A_353, %parallel_loop3A_286 : i32
      %parallel_loop3A_355 = arith.index_cast %parallel_loop3A_354 : i32 to index
      %parallel_loop3A_356 = tpu.vector_load %arg13[%parallel_loop3A_355] masked %eq3A_176 {strides = array<i32>} : memref<528xf32, #tpu.memory_space<vmem>>, vector<16xf32>, vector<16xi1>
      tpu.vector_store %arg13[%parallel_loop3A_355], %parallel_loop3A_352 masked %eq3A_176 {strides = array<i32>} : memref<528xf32, #tpu.memory_space<vmem>>, vector<16xf32>, vector<16xi1>
    } {sc.loop_unroll_factor = 1 : i64, sc.parallel_access}
    %dma_wait3A_269 = arith.constant 3 : i32
    %dma_wait3A_270 = arith.constant 0 : i32
    %dma_wait3A_271 = tpu.memref_slice %arg7[%dma_wait3A_269, %dma_wait3A_270] : memref<4x128xi32, #tpu.memory_space<vmem>> -> memref<1x128xi32, #tpu.memory_space<vmem>>
    %dma_wait3A_272 = tpu.memref_squeeze %dma_wait3A_271 : memref<1x128xi32, #tpu.memory_space<vmem>> -> memref<128xi32, #tpu.memory_space<vmem>>
    %dma_wait3A_273 = arith.constant 0 : i32
    %dma_wait3A_274 = arith.constant 0 : i32
    %dma_wait3A_275 = tpu.memref_slice %arg2[%dma_wait3A_273, %dma_wait3A_274] : memref<100000x128xf32, #tpu.memory_space<hbm>> -> memref<100000x128xf32, #tpu.memory_space<hbm>>
    tpu.wait_indirect_dma semaphore(%arg15 : memref<!tpu.dma_semaphore, #tpu.memory_space<semaphore_mem>>) src(%dma_wait3A_275 : memref<100000x128xf32, #tpu.memory_space<hbm>>) dst(%arg10 : memref<128x128xf32, #tpu.memory_space<vmem>>)
    %dma_wait3A_276 = arith.constant 3 : i32
    %dma_wait3A_277 = arith.constant 0 : i32
    %dma_wait3A_278 = tpu.memref_slice %arg8[%dma_wait3A_276, %dma_wait3A_277] : memref<4x128xi32, #tpu.memory_space<vmem>> -> memref<1x128xi32, #tpu.memory_space<vmem>>
    %dma_wait3A_279 = tpu.memref_squeeze %dma_wait3A_278 : memref<1x128xi32, #tpu.memory_space<vmem>> -> memref<128xi32, #tpu.memory_space<vmem>>
    %dma_wait3A_280 = arith.constant 0 : i32
    %dma_wait3A_281 = arith.constant 0 : i32
    %dma_wait3A_282 = tpu.memref_slice %arg3[%dma_wait3A_280, %dma_wait3A_281] : memref<100000x128xf32, #tpu.memory_space<hbm>> -> memref<100000x128xf32, #tpu.memory_space<hbm>>
    tpu.wait_indirect_dma semaphore(%arg15 : memref<!tpu.dma_semaphore, #tpu.memory_space<semaphore_mem>>) src(%dma_wait3A_282 : memref<100000x128xf32, #tpu.memory_space<hbm>>) dst(%arg12 : memref<128x128xf32, #tpu.memory_space<vmem>>)
    %parallel_loop3A_283 = arith.constant 0 : i32
    %parallel_loop3A_284 = arith.constant 128 : i32
    %parallel_loop3A_285 = arith.constant 1 : i32
    scf.for %parallel_loop3A_286 = %parallel_loop3A_283 to %parallel_loop3A_284 step %parallel_loop3A_285  : i32 {
      %parallel_loop3A_287 = arith.index_cast %parallel_loop3A_286 : i32 to index
      %parallel_loop3A_288 = arith.constant 0 : index
      %parallel_loop3A_289 = tpu.vector_load %arg10[%parallel_loop3A_287, %parallel_loop3A_288] {strides = array<i32>} : memref<128x128xf32, #tpu.memory_space<vmem>>, vector<16xf32>,
      %parallel_loop3A_290 = arith.index_cast %parallel_loop3A_286 : i32 to index
      %parallel_loop3A_291 = arith.constant 0 : index
      %parallel_loop3A_292 = tpu.vector_load %arg12[%parallel_loop3A_290, %parallel_loop3A_291] {strides = array<i32>} : memref<128x128xf32, #tpu.memory_space<vmem>>, vector<16xf32>,
      %parallel_loop3A_293 = arith.mulf %parallel_loop3A_289, %parallel_loop3A_292 : vector<16xf32>
      %parallel_loop3A_294 = arith.index_cast %parallel_loop3A_286 : i32 to index
      %parallel_loop3A_295 = arith.constant 16 : index
      %parallel_loop3A_296 = tpu.vector_load %arg10[%parallel_loop3A_294, %parallel_loop3A_295] {strides = array<i32>} : memref<128x128xf32, #tpu.memory_space<vmem>>, vector<16xf32>,
      %parallel_loop3A_297 = arith.index_cast %parallel_loop3A_286 : i32 to index
      %parallel_loop3A_298 = arith.constant 16 : index
      %parallel_loop3A_299 = tpu.vector_load %arg12[%parallel_loop3A_297, %parallel_loop3A_298] {strides = array<i32>} : memref<128x128xf32, #tpu.memory_space<vmem>>, vector<16xf32>,
      %parallel_loop3A_300 = arith.mulf %parallel_loop3A_296, %parallel_loop3A_299 : vector<16xf32>
      %parallel_loop3A_301 = arith.index_cast %parallel_loop3A_286 : i32 to index
      %parallel_loop3A_302 = arith.constant 32 : index
      %parallel_loop3A_303 = tpu.vector_load %arg10[%parallel_loop3A_301, %parallel_loop3A_302] {strides = array<i32>} : memref<128x128xf32, #tpu.memory_space<vmem>>, vector<16xf32>,
      %parallel_loop3A_304 = arith.index_cast %parallel_loop3A_286 : i32 to index
      %parallel_loop3A_305 = arith.constant 32 : index
      %parallel_loop3A_306 = tpu.vector_load %arg12[%parallel_loop3A_304, %parallel_loop3A_305] {strides = array<i32>} : memref<128x128xf32, #tpu.memory_space<vmem>>, vector<16xf32>,
      %parallel_loop3A_307 = arith.mulf %parallel_loop3A_303, %parallel_loop3A_306 : vector<16xf32>
      %parallel_loop3A_308 = arith.index_cast %parallel_loop3A_286 : i32 to index
      %parallel_loop3A_309 = arith.constant 48 : index
      %parallel_loop3A_310 = tpu.vector_load %arg10[%parallel_loop3A_308, %parallel_loop3A_309] {strides = array<i32>} : memref<128x128xf32, #tpu.memory_space<vmem>>, vector<16xf32>,
      %parallel_loop3A_311 = arith.index_cast %parallel_loop3A_286 : i32 to index
      %parallel_loop3A_312 = arith.constant 48 : index
      %parallel_loop3A_313 = tpu.vector_load %arg12[%parallel_loop3A_311, %parallel_loop3A_312] {strides = array<i32>} : memref<128x128xf32, #tpu.memory_space<vmem>>, vector<16xf32>,
      %parallel_loop3A_314 = arith.mulf %parallel_loop3A_310, %parallel_loop3A_313 : vector<16xf32>
      %parallel_loop3A_315 = arith.index_cast %parallel_loop3A_286 : i32 to index
      %parallel_loop3A_316 = arith.constant 64 : index
      %parallel_loop3A_317 = tpu.vector_load %arg10[%parallel_loop3A_315, %parallel_loop3A_316] {strides = array<i32>} : memref<128x128xf32, #tpu.memory_space<vmem>>, vector<16xf32>,
      %parallel_loop3A_318 = arith.index_cast %parallel_loop3A_286 : i32 to index
      %parallel_loop3A_319 = arith.constant 64 : index
      %parallel_loop3A_320 = tpu.vector_load %arg12[%parallel_loop3A_318, %parallel_loop3A_319] {strides = array<i32>} : memref<128x128xf32, #tpu.memory_space<vmem>>, vector<16xf32>,
      %parallel_loop3A_321 = arith.mulf %parallel_loop3A_317, %parallel_loop3A_320 : vector<16xf32>
      %parallel_loop3A_322 = arith.index_cast %parallel_loop3A_286 : i32 to index
      %parallel_loop3A_323 = arith.constant 80 : index
      %parallel_loop3A_324 = tpu.vector_load %arg10[%parallel_loop3A_322, %parallel_loop3A_323] {strides = array<i32>} : memref<128x128xf32, #tpu.memory_space<vmem>>, vector<16xf32>,
      %parallel_loop3A_325 = arith.index_cast %parallel_loop3A_286 : i32 to index
      %parallel_loop3A_326 = arith.constant 80 : index
      %parallel_loop3A_327 = tpu.vector_load %arg12[%parallel_loop3A_325, %parallel_loop3A_326] {strides = array<i32>} : memref<128x128xf32, #tpu.memory_space<vmem>>, vector<16xf32>,
      %parallel_loop3A_328 = arith.mulf %parallel_loop3A_324, %parallel_loop3A_327 : vector<16xf32>
      %parallel_loop3A_329 = arith.index_cast %parallel_loop3A_286 : i32 to index
      %parallel_loop3A_330 = arith.constant 96 : index
      %parallel_loop3A_331 = tpu.vector_load %arg10[%parallel_loop3A_329, %parallel_loop3A_330] {strides = array<i32>} : memref<128x128xf32, #tpu.memory_space<vmem>>, vector<16xf32>,
      %parallel_loop3A_332 = arith.index_cast %parallel_loop3A_286 : i32 to index
      %parallel_loop3A_333 = arith.constant 96 : index
      %parallel_loop3A_334 = tpu.vector_load %arg12[%parallel_loop3A_332, %parallel_loop3A_333] {strides = array<i32>} : memref<128x128xf32, #tpu.memory_space<vmem>>, vector<16xf32>,
      %parallel_loop3A_335 = arith.mulf %parallel_loop3A_331, %parallel_loop3A_334 : vector<16xf32>
      %parallel_loop3A_336 = arith.index_cast %parallel_loop3A_286 : i32 to index
      %parallel_loop3A_337 = arith.constant 112 : index
      %parallel_loop3A_338 = tpu.vector_load %arg10[%parallel_loop3A_336, %parallel_loop3A_337] {strides = array<i32>} : memref<128x128xf32, #tpu.memory_space<vmem>>, vector<16xf32>,
      %parallel_loop3A_339 = arith.index_cast %parallel_loop3A_286 : i32 to index
      %parallel_loop3A_340 = arith.constant 112 : index
      %parallel_loop3A_341 = tpu.vector_load %arg12[%parallel_loop3A_339, %parallel_loop3A_340] {strides = array<i32>} : memref<128x128xf32, #tpu.memory_space<vmem>>, vector<16xf32>,
      %parallel_loop3A_342 = arith.mulf %parallel_loop3A_338, %parallel_loop3A_341 : vector<16xf32>
      %parallel_loop3A_343 = arith.addf %parallel_loop3A_293, %parallel_loop3A_300 : vector<16xf32>
      %parallel_loop3A_344 = arith.addf %parallel_loop3A_307, %parallel_loop3A_314 : vector<16xf32>
      %parallel_loop3A_345 = arith.addf %parallel_loop3A_321, %parallel_loop3A_328 : vector<16xf32>
      %parallel_loop3A_346 = arith.addf %parallel_loop3A_335, %parallel_loop3A_342 : vector<16xf32>
      %parallel_loop3A_347 = arith.addf %parallel_loop3A_343, %parallel_loop3A_344 : vector<16xf32>
      %parallel_loop3A_348 = arith.addf %parallel_loop3A_345, %parallel_loop3A_346 : vector<16xf32>
      %parallel_loop3A_349 = arith.addf %parallel_loop3A_347, %parallel_loop3A_348 : vector<16xf32>
      %parallel_loop3A_350 = arith.constant true
      %parallel_loop3A_351 = vector.broadcast %parallel_loop3A_350 : i1 to vector<16xi1>
      %parallel_loop3A_352 = tpu.scan <sum>, %parallel_loop3A_349 masked %parallel_loop3A_351 : vector<16xf32>, vector<16xi1> -> vector<16xf32>
      %parallel_loop3A_353 = arith.constant 384 : i32
      %parallel_loop3A_354 = arith.addi %parallel_loop3A_353, %parallel_loop3A_286 : i32
      %parallel_loop3A_355 = arith.index_cast %parallel_loop3A_354 : i32 to index
      %parallel_loop3A_356 = tpu.vector_load %arg13[%parallel_loop3A_355] masked %eq3A_176 {strides = array<i32>} : memref<528xf32, #tpu.memory_space<vmem>>, vector<16xf32>, vector<16xi1>
      tpu.vector_store %arg13[%parallel_loop3A_355], %parallel_loop3A_352 masked %eq3A_176 {strides = array<i32>} : memref<528xf32, #tpu.memory_space<vmem>>, vector<16xf32>, vector<16xi1>
    } {sc.loop_unroll_factor = 1 : i64, sc.parallel_access}
    "tpu.region"() ({
      %run_scoped3A = tpu.sem_alloc : memref<!tpu.dma_semaphore, #tpu.memory_space<semaphore_mem>>
      %dma_start3A_286 = arith.constant 0 : i32
      %dma_start3A_287 = tpu.memref_slice %arg13[%dma_start3A_286] : memref<528xf32, #tpu.memory_space<vmem>> -> memref<512xf32, #tpu.memory_space<vmem>>
      %dma_start3A_288 = tpu.memref_slice %arg6[%mul3A_2] : memref<16384xf32, #tpu.memory_space<hbm>> -> memref<512xf32, #tpu.memory_space<hbm>>
      %dma_start3A_289 = tpu.memref_slice %arg6[%mul3A_2] : memref<16384xf32, #tpu.memory_space<hbm>> -> memref<512xf32, #tpu.memory_space<hbm>>
      %dma_start3A_290 = arith.constant 0 : i32
      %dma_start3A_291 = tpu.memref_slice %arg13[%dma_start3A_290] : memref<528xf32, #tpu.memory_space<vmem>> -> memref<512xf32, #tpu.memory_space<vmem>>
      tpu.enqueue_dma source(%dma_start3A_291 : memref<512xf32, #tpu.memory_space<vmem>>) target(%dma_start3A_289 : memref<512xf32, #tpu.memory_space<hbm>>) target_semaphore(%run_scoped3A : memref<!tpu.dma_semaphore, #tpu.memory_space<semaphore_mem>>)
      %dma_wait3A_292 = arith.constant 0 : i32
      %dma_wait3A_293 = tpu.memref_slice %arg13[%dma_wait3A_292] : memref<528xf32, #tpu.memory_space<vmem>> -> memref<512xf32, #tpu.memory_space<vmem>>
      %dma_wait3A_294 = tpu.memref_slice %arg6[%mul3A_2] : memref<16384xf32, #tpu.memory_space<hbm>> -> memref<512xf32, #tpu.memory_space<hbm>>
      %dma_wait3A_295 = tpu.memref_slice %arg6[%mul3A_2] : memref<16384xf32, #tpu.memory_space<hbm>> -> memref<512xf32, #tpu.memory_space<hbm>>
      %dma_wait3A_296 = arith.constant 0 : i32
      %dma_wait3A_297 = tpu.memref_slice %arg13[%dma_wait3A_296] : memref<528xf32, #tpu.memory_space<vmem>> -> memref<512xf32, #tpu.memory_space<vmem>>
      tpu.wait_dma2 semaphore(%run_scoped3A : memref<!tpu.dma_semaphore, #tpu.memory_space<semaphore_mem>>) src(%dma_wait3A_297 : memref<512xf32, #tpu.memory_space<vmem>>) dst(%dma_wait3A_295 : memref<512xf32, #tpu.memory_space<hbm>>)
      tpu.yield
    }) : () -> ()
    return
  }
}

</mosaic_0001>

<sc_bundles>
// kernel: kernel.3.cloned.1.call-start
scs
__scs_entry_jumppad:
0x0: {  	(pc) =	sbr.rel $0x88, $3  }
0x1: {  	(tag) =	ssettag $0x0;
	lr =	simm.s32 $0x1  }
0x2: {  	[smem:$0x3F9D] =	sst lr;
	_ =	strace $0xD0000000  }
0x3: {  	_ = 	snop  }
0x4: {  	_ = 	snop  }
0x5: {  	_ = 	snop  }
0x6: {  	_ = 	snop  }
0x7: {  	_ = 	snop  }
__scs_overlays_trampoline_lowered:
0x8: {  	[smem:$0x3FAC] =	sst s0  }
0x9: {  	[smem:$0x3FAD] =	sst s1  }
0xa: {  	[smem:$0x3FAE] =	sst s2  }
0xb: {  	[smem:$0x3FAF] =	sst s3  }
0xc: {  	[smem:$0x3FB0] =	sst s4  }
0xd: {  	[smem:$0x3FB1] =	sst s5  }
0xe: {  	[smem:$0x3FB2] =	sst s6  }
0xf: {  	[smem:$0x3FB3] =	sst s7  }
0x10: {  	[smem:$0x3FB4] =	sst s8  }
0x11: {  	[smem:$0x3FB5] =	sst s9;
	s0 =	simm.s32 @!p0 $0x0  }
0x12: {  	s1 =	sld [smem:$0x3F9B];
	s0 =	simm.s32 @p0 $0x1  }
0x13: {  	[smem:$0x3FB6] =	sst s0;
	s0 =	simm.s32 @!p1 $0x0  }
0x14: {  	s2 =	sld [smem:$0x3F9A];
	s0 =	simm.s32 @p1 $0x1  }
0x15: {  	[smem:$0x3FB7] =	sst s0;
	s0 =	simm.s32 @!p2 $0x0  }
0x16: {  	s3 =	sld [smem:$0x3FDB];
	s0 =	simm.s32 @p2 $0x1  }
0x17: {  	s4 =	simm.s32 $0x1BF5;
	[smem:$0x3FB9] =	sst s0  }
0x18: {  	s0 =	sld [smem:$0x3F9C];
	_ =	swait.ge [sflag:s4], $0x0  }
0x19: {  	s7 =	sld [smem:$0x3F9D]  }
0x1a: {  	s8 =	sadd.s32 $0xFFFFE003, lr  }
0x1b: {  	s9 =	sadd.s32 $0xFFFFFEF7, lr;
	s5 =	simm.s32 $0xFFFFFFFF;
	p2 =	slt.u32 s8, $0xFFFFF086  }
0x1c: {  	p1 =	slt.u32 s9, $0xF7A;
	s5 =	simm.s32 @!p2 $0x0  }
0x1d: {  	s5 =	simm.s32 @p1 $0x1;
	p0 =	seq.s32 s7, s2  }
0x1e: {  	s7 =	smul.u32 @!p0 $0xF7A, s2;
	p2 =	seq.s32 @!p0 s5, $0x0  }
0x1f: {  	s9 =	smul.u32 $0xF7A, s1;
	s8 =	simm.s32 @!p0 $0x1BF5;
	p2 =	por !p2, p0  }
0x20: {  	[sflag:s8] =	ssyncset.s32 @!p0 $0xFFFFF086;
	s6 =	sadd.s32 @!p0 s3, s7;
	s7 =	simm.s32 @!p0 $0x108  }
0x21: {  	s3 =	sadd.s32 s3, s9;
	s6 =	sadd.s32 @!p0 $0x88, s6;
	s7 =	simm.s32 @p2 $0x1082  }
0x22: {  	[simem:s7], [sflag:s8] =	dma.local @!p0 [hbm:s6], $0xF7A  }
0x23: {  	s9 =	sor.u32 $0xD0000000, s2;
	s6 =	simm.s32 $0x108;
	_ =	swait.ge @!p0 [sflag:s8], $0x0  }
0x24: {  	s3 =	sadd.s32 $0x88, s3;
	s6 =	simm.s32 @!p1 $0x1082;
	[sflag:s4] =	ssyncset.s32 $0xFFFFF086  }
0x25: {  	[simem:s6], [sflag:s4] =	dma.local [hbm:s3], $0xF7A  }
0x26: {  	[smem:$0x3F9D] =	sst s1;
	(tag) =	ssettag s2;
	_ =	strace s9  }
0x27: {  	s1 =	sld [smem:$0x3FAD]  }
0x28: {  	s2 =	sld [smem:$0x3FAE]  }
0x29: {  	s4 =	sld [smem:$0x3FB0]  }
0x2a: {  	p0 =	seq.s32 s5, $0x0;
	s5 =	sld [smem:$0x3FB1]  }
0x2b: {  	s6 =	sld [smem:$0x3FB2]  }
0x2c: {  	s7 =	sld [smem:$0x3FB3]  }
0x2d: {  	s3 =	simm.s32 $0x108;
	s8 =	sld [smem:$0x3FB4]  }
0x2e: {  	s3 =	simm.s32 @!p0 $0x1082;
	s9 =	sld [smem:$0x3FB5]  }
0x2f: {  	lr =	sadd.s32 s0, s3;
	s0 =	sld [smem:$0x3FAC]  }
0x30: {  	s3 =	sld [smem:$0x3FAF]  }
0x31: {  	[smem:$0x3FB8] =	sst s10  }
0x32: {  	s10 =	sld [smem:$0x3FB6];
	_ =	sdelay $0x3  }
0x33: {  	p0 =	seq.s32 s10, $0x1;
	s10 =	sld [smem:$0x3FB8];
	_ =	sdelay $0x3  }
0x34: {  	[smem:$0x3FB8] =	sst s10  }
0x35: {  	s10 =	sld [smem:$0x3FB7];
	_ =	sdelay $0x3  }
0x36: {  	p1 =	seq.s32 s10, $0x1;
	s10 =	sld [smem:$0x3FB8];
	_ =	sdelay $0x3  }
0x37: {  	[smem:$0x3FB8] =	sst s10  }
0x38: {  	s10 =	sld [smem:$0x3FB9]  }
0x39: {  	_ = 	snop;
	(pc) =	sbr.ind lr, $3  }
0x3a: {  	_ = 	snop  }
0x3b: {  	_ = 	snop  }
0x3c: {  	p2 =	seq.s32 s10, $0x1;
	s10 =	sld [smem:$0x3FB8]  }
0x3d: {  	_ =	shalt  }
0x3e: {  	_ =	shalt  }
0x3f: {  	_ =	shalt  }
0x40: {  	_ =	shalt  }
0x41: {  	_ =	shalt  }
0x42: {  	_ =	shalt  }
0x43: {  	_ =	shalt  }
0x44: {  	_ =	shalt  }
0x45: {  	_ =	shalt  }
0x46: {  	_ =	shalt  }
0x47: {  	_ =	shalt  }
0x48: {  	_ =	shalt  }
0x49: {  	_ =	shalt  }
0x4a: {  	_ =	shalt  }
0x4b: {  	_ =	shalt  }
0x4c: {  	_ =	shalt  }
0x4d: {  	_ =	shalt  }
0x4e: {  	_ =	shalt  }
0x4f: {  	_ =	shalt  }
0x50: {  	_ =	shalt  }
0x51: {  	_ =	shalt  }
0x52: {  	_ =	shalt  }
0x53: {  	_ =	shalt  }
0x54: {  	_ =	shalt  }
0x55: {  	_ =	shalt  }
0x56: {  	_ =	shalt  }
0x57: {  	_ =	shalt  }
0x58: {  	_ =	shalt  }
0x59: {  	_ =	shalt  }
0x5a: {  	_ =	shalt  }
0x5b: {  	_ =	shalt  }
0x5c: {  	_ =	shalt  }
0x5d: {  	_ =	shalt  }
0x5e: {  	_ =	shalt  }
0x5f: {  	_ =	shalt  }
0x60: {  	_ =	shalt  }
0x61: {  	_ =	shalt  }
0x62: {  	_ =	shalt  }
0x63: {  	_ =	shalt  }
0x64: {  	_ =	shalt  }
0x65: {  	_ =	shalt  }
0x66: {  	_ =	shalt  }
0x67: {  	_ =	shalt  }
0x68: {  	_ =	shalt  }
0x69: {  	_ =	shalt  }
0x6a: {  	_ =	shalt  }
0x6b: {  	_ =	shalt  }
0x6c: {  	_ =	shalt  }
0x6d: {  	_ =	shalt  }
0x6e: {  	_ =	shalt  }
0x6f: {  	_ =	shalt  }
0x70: {  	_ =	shalt  }
0x71: {  	_ =	shalt  }
0x72: {  	_ =	shalt  }
0x73: {  	_ =	shalt  }
0x74: {  	_ =	shalt  }
0x75: {  	_ =	shalt  }
0x76: {  	_ =	shalt  }
0x77: {  	_ =	shalt  }
0x78: {  	_ =	shalt  }
0x79: {  	_ =	shalt  }
0x7a: {  	_ =	shalt  }
0x7b: {  	_ =	shalt  }
0x7c: {  	_ =	shalt  }
0x7d: {  	_ =	shalt  }
0x7e: {  	_ =	shalt  }
0x7f: {  	_ =	shalt  }
0x80: {  	_ =	shalt  }
0x81: {  	_ =	shalt  }
0x82: {  	_ =	shalt  }
0x83: {  	_ =	shalt  }
0x84: {  	_ =	shalt  }
0x85: {  	_ =	shalt  }
0x86: {  	_ =	shalt  }
0x87: {  	_ =	shalt  }
.Lfunc_end0:
.L_simem_size_0:
called_computation_lowered:
.L_overlay_start_0:
0x88: {  	s2 =	sld [smem:$0x3FD9]  }
0x89: {  	s3 =	sld [smem:$0x3FFE];
	_ =	sdelay $0x1  }
0x8a: {  	s1 =	srdreg.scid  }
0x8b: {  	s0 =	sand.u32 $0x1, s1  }
0x8c: {  	s18 =	sshll.u32 s0, $0xA;
	s2 =	sadd.s32 s3, s2  }
0x8d: {  	s2 =	sadd.s32 s2, s18  }
0x8e: {  	[smem:$0x3FC4] =	sst s2  }
0x8f: {  	_ = 	snop  }
0x90: {  	s2 =	sld [smem:$0x3FC9]  }
0x91: {  	s19 =	sld [smem:$0x3FC8]  }
0x92: {  	s4 =	sld [smem:$0x3FC7]  }
0x93: {  	s5 =	sld [smem:$0x3FC6]  }
0x94: {  	s6 =	sld [smem:$0x3FD0];
	(tm) =	ssettm $0x1  }
0x95: {  	s7 =	sld [smem:$0x3FFB];
	_ =	sdelay $0x3  }
0x96: {  	_ =	strace s7  }
0x97: {  	s7 =	sld [smem:$0x3FFC];
	_ =	sdelay $0x3  }
0x98: {  	_ =	strace s7  }
0x99: {  	s7 =	sld [smem:$0x3FFD];
	_ =	sdelay $0x3  }
0x9a: {  	_ =	strace s7  }
0x9b: {  	_ =	strace $0x8FFFFFFF  }
0x9c: {  	s20 =	sld [smem:$0x3FDB];
	_ =	sdelay $0x1  }
0x9d: {  	s8 =	simm.s32 $_scs_section_size  }
0x9e: {  	s9 =	simm.s32 $_size__tile_overlayer_lowered;
	s10 =	simm.s32 $_tile_overlayer_lowered  }
0x9f: {  	s23 =	simm.s32 $0x1BFF;
	s22 =	sshll.u32 s10, $0x1;
	s7 =	sadd.s32 s8, s20  }
0xa0: {  	s11 =	simm.s32 $0x0;
	s21 =	sshll.u32 s9, $0x1;
	s9 =	sadd.s32 s22, s7  }
0xa1: {  	[timem:s11], [sflag:s23] =	dma.local [hbm:s9], s21  }
0xa2: {  	_ =	swait.ge [sflag:s23], s21  }
0xa3: {  	s8 =	ssub.s32 $0x0, s21;
	[sflag:s23] =	ssyncset.done $0x0  }
0xa4: {  	[sflag:s23] =	ssyncadd.s32 s8;
	_ =	sdelay $0x1  }
0xa5: {  	s24 =	simm.s32 $0x1B8B  }
0xa6: {  	_ =	swait.ge [sflag:s24], $0x1  }
0xa7: {  	[sflag:s24] =	ssyncset.done $0x0  }
0xa8: {  	s25 =	simm.s32 $0x1B8E;
	[sflag:s24] =	ssyncadd.s32 $0xFFFFFFFF  }
0xa9: {  	s26 =	simm.s32 $execute0_lowered;
	[smem:$0x3FD2] =	sst s25  }
0xaa: {  	s8 =	sshll.u32 s26, $0x1;
	_ =	strace $0x80000046;
	[dreg:$0x1] =	wrdreg $0xFFFFFFFF  }
0xab: {  	s28 =	simm.s32 $_size_execute0_lowered;
	s7 =	sadd.s32 s7, s8;
	[dreg:$0x0] =	wrdreg $0x0  }
0xac: {  	s8 =	sshll.u32 s28, $0x1;
	[dreg:$0x2] =	wrdreg s7  }
0xad: {  	[dreg:$0x3] =	wrdreg s8  }
0xae: {  	[dreg:$0x4] =	wrdreg $0xC0  }
0xaf: {  	_ =	task [dreg:s11], $0x5FFFF  }
0xb0: {  	[dreg:$0x1] =	wrdreg $0xFFFFFFFF  }
0xb1: {  	[dreg:$0x0] =	wrdreg $0x60  }
0xb2: {  	[dreg:$0x2] =	wrdreg s2  }
0xb3: {  	[dreg:$0x3] =	wrdreg s19  }
0xb4: {  	[dreg:$0x4] =	wrdreg s4  }
0xb5: {  	[dreg:$0x5] =	wrdreg s5  }
0xb6: {  	[dreg:$0x6] =	wrdreg s6  }
0xb7: {  	[dreg:$0x7] =	wrdreg $0x9  }
0xb8: {  	_ =	task.clear_ibuf [dreg:s11], $0x8FFFF;
	_ =	strace $0x90000046  }
0xb9: {  	s29 =	simm.s32 $0x9;
	_ =	strace $0x80000048  }
0xba: {  	_ =	swait.ge [sflag:s29], $0x1  }
0xbb: {  	[sflag:s29] =	ssyncadd.s32 $0xFFFFFFFF  }
0xbc: {  	_ =	strace $0x90000048  }
0xbd: {  	_ =	sfence  }
0xbe: {  	s30 =	sld [smem:$0x0];
	_ =	sdelay $0x2  }
0xbf: {  	s31 =	sshll.u32 s1, $0xD;
	s1 =	sshrl.u32 s1, $0x2  }
0xc0: {  	s3 =	sand.u32 $0x4000, s31;
	s1 =	sadd.s32 s1, s30  }
0xc1: {  	s0 =	sor.u32 s3, s0;
	s1 =	sshll.u32 s1, $0x11  }
0xc2: {  	s0 =	sor.u32 s1, s0  }
0xc3: {  	s0 =	sadd.s32 $0x8F2B, s0  }
0xc4: {  	[sflag:s0] =	ssyncadd.remote.s32 $0x1  }
0xc5: {  	_ =	sfence.sel $0xFFFF  }
0xc6: {  	[dreg:$0x0] =	wrdreg $0xFFFFFFFF;
	(pc) =	sbr.abs _section_cstart, $3  }
0xc7: {  	[dreg:$0x1] =	wrdreg $0xFFFFFFFF  }
0xc8: {  	_ =	task.clear_ibuf [dreg:s11], $0x2FFFF;
	_ =	strace $0x9FFFFFFF  }
0xc9: {  	(tm) =	ssettm $0x7FFFFFFF  }
tec
execute0_lowered:
.L_overlay_start_1:
0x0: {  	(tag) =	ssettag $0x1  }
0x1: {  	s1 =	rddreg [dreg:$0x0]  }
0x2: {  	s2 =	rddreg [dreg:$0x1]  }
0x3: {  	s0 =	rddreg [dreg:$0x2]  }
0x4: {  	s3 =	rddreg [dreg:$0x3]  }
0x5: {  	s5 =	rddreg [dreg:$0x4]  }
0x6: {  	s6 =	srdreg.scid;
	s4 =	simm.s32 $0x0;
	s9 =	stileid.u32  }
0x7: {  	s16 =	simm.s32 $0x80;
	s17 =	simm.s32 $0x280;
	s18 =	simm.s32 $0x100  }
0x8: {  	s19 =	simm.s32 $0x300;
	s20 =	simm.s32 $0x180;
	s21 =	simm.s32 $0x380  }
0x9: {  	s22 =	simm.s32 $0x3;
	s23 =	simm.s32 $0x400;
	s24 =	simm.s32 $0x8400  }
0xa: {  	s25 =	simm.s32 $0x4400;
	s28 =	simm.s32 $0x1;
	s29 =	simm.s32 $0x2  }
0xb: {  	s30 =	simm.s32 $0x10400;
	s31 =	simm.s32 $0x4;
	s6 =	sand.u32 $0x1, s6  }
0xc: {  	s9 =	sshll.u32 s9, $0x7;
	s7 =	ssub.s32 $0x2, s6;
	s6 =	sshll.u32 s6, $0x6  }
0xd: {  	[smem:$0x7FF] =	sst s4;
	s8 =	sshrl.u32 s7, $0x1;
	s13 =	sor.u32 s6, s9  }
0xe: {  	_ =	strace $0x80000047;
	s14 =	ssub.s32 s7, s8;
	s6 =	sadd.s32 s0, s13  }
0xf: {  	s26 =	sor.u32 $0x10, s13;
	s10 =	sor.u32 $0x20, s13;
	s12 =	sor.u32 $0x30, s13  }
0x10: {  	[dreg:$0x6] =	wrdreg s6;
	s6 =	sadd.s32 s3, s13;
	s7 =	sadd.s32 s0, s26  }
0x11: {  	s8 =	sadd.s32 s3, s26;
	s9 =	sadd.s32 s0, s10;
	s10 =	sadd.s32 s3, s10  }
0x12: {  	s11 =	sadd.s32 s0, s12;
	s12 =	sadd.s32 s3, s12;
	s13 =	sadd.s32 s5, s13  }
0x13: {  	vm0 =	vcmask $0x3F3C;
	s14 =	smax.u32 s14, $0x1;
	s26 =	simm.s32 $0xC400;
	s0 =	simm.s32 $0x0  }
.LBB2_1:
0x14: {  	s3 =	rddreg [dreg:$0x6]  }
0x15: {  	[tilespmem:s4], [sflag:$0x3] =	stream.linear.gather [hbm4b:s3+s4], $0x80, $0x38;
	[tilespmem:$0x10680] =	vst v63  }
0x16: {  	s5 =	simm.s32 $0x200  }
0x17: {  	[tilespmem:s5], [sflag:$0x3] =	stream.linear.gather [hbm4b:s6+s4], $0x80, $0x38;
	[tilespmem:$0x10680] =	vst v63  }
0x18: {  	_ = 	snop  }
0x19: {  	[tilespmem:s16], [sflag:$0x3] =	stream.linear.gather [hbm4b:s7+s4], $0x80, $0x38;
	[tilespmem:$0x10680] =	vst v63  }
0x1a: {  	_ = 	snop  }
0x1b: {  	[tilespmem:s17], [sflag:$0x3] =	stream.linear.gather [hbm4b:s8+s4], $0x80, $0x38;
	[tilespmem:$0x10680] =	vst v63  }
0x1c: {  	_ = 	snop  }
0x1d: {  	[tilespmem:s18], [sflag:$0x3] =	stream.linear.gather [hbm4b:s9+s4], $0x80, $0x38;
	[tilespmem:$0x10680] =	vst v63  }
0x1e: {  	_ = 	snop  }
0x1f: {  	[tilespmem:s19], [sflag:$0x3] =	stream.linear.gather [hbm4b:s10+s4], $0x80, $0x38;
	[tilespmem:$0x10680] =	vst v63  }
0x20: {  	_ = 	snop  }
0x21: {  	[tilespmem:s20], [sflag:$0x3] =	stream.linear.gather [hbm4b:s11+s4], $0x80, $0x38;
	[tilespmem:$0x10680] =	vst v63  }
0x22: {  	_ = 	snop  }
0x23: {  	[tilespmem:s21], [sflag:$0x3] =	stream.linear.gather [hbm4b:s12+s4], $0x80, $0x38;
	[tilespmem:$0x10680] =	vst v63  }
0x24: {  	_ =	swait.ge [sflag:s22], $0x80  }
0x25: {  	[sflag:s22] =	ssyncset.done $0x0  }
0x26: {  	[sflag:s22] =	ssyncadd.s32 $0xFFFFFF80  }
0x27: {  	_ =	swait.ge [sflag:s22], $0x80  }
0x28: {  	[sflag:s22] =	ssyncset.done $0x0  }
0x29: {  	[sflag:s22] =	ssyncadd.s32 $0xFFFFFF80  }
0x2a: {  	[tilespmem:s23], [sflag:$0x1] =	stream.indirect.gather [hbm4b:s1+s16], $0x80, s4, s16, $0xb8;
	[tilespmem:$0x10680] =	vst v63  }
0x2b: {  	_ = 	snop  }
0x2c: {  	[tilespmem:s24], [sflag:$0x1] =	stream.indirect.gather [hbm4b:s2+s16], $0x80, s5, s16, $0xb8;
	[tilespmem:$0x10680] =	vst v63  }
0x2d: {  	_ =	swait.ge [sflag:s22], $0x80  }
0x2e: {  	[sflag:s22] =	ssyncset.done $0x0  }
0x2f: {  	[sflag:s22] =	ssyncadd.s32 $0xFFFFFF80  }
0x30: {  	_ =	swait.ge [sflag:s22], $0x80  }
0x31: {  	[sflag:s22] =	ssyncset.done $0x0  }
0x32: {  	[sflag:s22] =	ssyncadd.s32 $0xFFFFFF80  }
0x33: {  	_ =	swait.ge [sflag:s22], $0x80  }
0x34: {  	[sflag:s22] =	ssyncset.done $0x0  }
0x35: {  	[sflag:s22] =	ssyncadd.s32 $0xFFFFFF80  }
0x36: {  	_ =	swait.ge [sflag:s22], $0x80  }
0x37: {  	[sflag:s22] =	ssyncset.done $0x0  }
0x38: {  	[sflag:s22] =	ssyncadd.s32 $0xFFFFFF80  }
0x39: {  	_ =	swait.ge [sflag:s22], $0x80  }
0x3a: {  	[sflag:s22] =	ssyncset.done $0x0  }
0x3b: {  	[sflag:s22] =	ssyncadd.s32 $0xFFFFFF80  }
0x3c: {  	_ =	swait.ge [sflag:s22], $0x80  }
0x3d: {  	[sflag:s22] =	ssyncset.done $0x0  }
0x3e: {  	[sflag:s22] =	ssyncadd.s32 $0xFFFFFF80  }
0x3f: {  	[tilespmem:s25], [sflag:$0x2] =	stream.indirect.gather [hbm4b:s1+s16], $0x80, s16, s16, $0xb8;
	[tilespmem:$0x10680] =	vst v63  }
0x40: {  	_ = 	snop  }
0x41: {  	[tilespmem:s26], [sflag:$0x2] =	stream.indirect.gather [hbm4b:s2+s16], $0x80, s17, s16, $0xb8;
	[tilespmem:$0x10680] =	vst v63  }
0x42: {  	_ =	swait.ge [sflag:s28], $0x4000  }
0x43: {  	[sflag:s28] =	ssyncset.done $0x0  }
0x44: {  	[sflag:s28] =	ssyncadd.s32 $0xFFFFC000  }
0x45: {  	_ =	swait.ge [sflag:s28], $0x4000  }
0x46: {  	[sflag:s28] =	ssyncset.done $0x0  }
0x47: {  	s15 =	simm.s32 $0x0;
	[sflag:s28] =	ssyncadd.s32 $0xFFFFC000  }
0x48: {  	v0 =	vld [tilespmem:s15+$0x400]  }
0x49: {  	v1 =	vld [tilespmem:s15+$0x8400]  }
0x4a: {  	v2 =	vld [tilespmem:s15+$0x410]  }
0x4b: {  	v3 =	vld [tilespmem:s15+$0x8410]  }
0x4c: {  	v4 =	vld [tilespmem:s15+$0x420]  }
0x4d: {  	v5 =	vld [tilespmem:s15+$0x8420]  }
0x4e: {  	v6 =	vld [tilespmem:s15+$0x430]  }
0x4f: {  	v7 =	vld [tilespmem:s15+$0x8430]  }
0x50: {  	v8 =	vld [tilespmem:s15+$0x440]  }
0x51: {  	v9 =	vld [tilespmem:s15+$0x8440]  }
0x52: {  	v10 =	vld [tilespmem:s15+$0x450]  }
0x53: {  	v11 =	vld [tilespmem:s15+$0x8450]  }
0x54: {  	v12 =	vld [tilespmem:s15+$0x460]  }
0x55: {  	v13 =	vld [tilespmem:s15+$0x8460]  }
0x56: {  	v14 =	vld [tilespmem:s15+$0x470]  }
0x57: {  	s5 =	simm.s32 $0x80;
	v15 =	vld [tilespmem:s15+$0x8470]  }
0x58: {  	v16 =	vld [tilespmem:s5+$0x400]  }
0x59: {  	v17 =	vld [tilespmem:s5+$0x8400]  }
0x5a: {  	v18 =	vld [tilespmem:s5+$0x410]  }
0x5b: {  	v19 =	vld [tilespmem:s5+$0x8410]  }
0x5c: {  	v20 =	vld [tilespmem:s5+$0x420]  }
0x5d: {  	v21 =	vld [tilespmem:s5+$0x8420]  }
0x5e: {  	v22 =	vld [tilespmem:s5+$0x430]  }
0x5f: {  	v23 =	vld [tilespmem:s5+$0x8430];
	v0 =	vmul.f32 v1, v0;
	v1 =	vmul.f32 v3, v2  }
0x60: {  	v24 =	vld [tilespmem:s5+$0x440];
	v2 =	vmul.f32 v5, v4;
	v3 =	vmul.f32 v7, v6  }
0x61: {  	v5 =	vld [tilespmem:s5+$0x8440];
	v4 =	vmul.f32 v9, v8;
	v6 =	vmul.f32 v11, v10  }
0x62: {  	v7 =	vld [tilespmem:s5+$0x450];
	v8 =	vmul.f32 v13, v12;
	v9 =	vmul.f32 v15, v14  }
0x63: {  	v10 =	vld [tilespmem:s5+$0x8450];
	v0 =	vadd.f32 v1, v0;
	v1 =	vadd.f32 v3, v2  }
0x64: {  	v11 =	vld [tilespmem:s5+$0x460];
	v2 =	vadd.f32 v6, v4;
	v3 =	vadd.f32 v9, v8  }
0x65: {  	v6 =	vld [tilespmem:s5+$0x8460]  }
0x66: {  	v8 =	vld [tilespmem:s5+$0x470];
	v0 =	vadd.f32 v1, v0;
	v1 =	vadd.f32 v3, v2  }
0x67: {  	s3 =	simm.s32 $0x100;
	v9 =	vld [tilespmem:s5+$0x8470]  }
0x68: {  	v4 =	vld [tilespmem:s3+$0x400];
	v2 =	vadd.f32 v1, v0  }
0x69: {  	v12 =	vmul.f32 v17, v16;
	v13 =	vmul.f32 v19, v18;
	v3 =	vld [tilespmem:s3+$0x420]  }
0x6a: {  	v14 =	vmul.f32 v21, v20;
	v63 =	vmul.f32 v5, v24;
	v5 =	vld [tilespmem:s3+$0x8420];
	(xrf2) =	vadd.scan.msk.f32 $0xffff, v2  }
0x6b: {  	v15 =	vmul.f32 v23, v22;
	v10 =	vmul.f32 v10, v7;
	v7 =	vld [tilespmem:s3+$0x8430]  }
0x6c: {  	v0 =	vld [tilespmem:s3+$0x8400];
	v11 =	vmul.f32 v6, v11;
	v8 =	vmul.f32 v9, v8  }
0x6d: {  	v12 =	vadd.f32 v13, v12;
	v13 =	vadd.f32 v15, v14;
	v1 =	vld [tilespmem:s3+$0x410]  }
0x6e: {  	v6 =	vld [tilespmem:s3+$0x430];
	v10 =	vadd.f32 v10, v63;
	v11 =	vadd.f32 v8, v11  }
0x6f: {  	v9 =	vld [tilespmem:s3+$0x8440]  }
0x70: {  	v12 =	vadd.f32 v13, v12;
	v2 =	vld [tilespmem:s3+$0x8410];
	v13 =	vadd.f32 v11, v10  }
0x71: {  	v8 =	vld [tilespmem:s3+$0x440]  }
0x72: {  	v10 =	vld [tilespmem:s3+$0x450];
	v14 =	vadd.f32 v13, v12  }
0x73: {  	v11 =	vld [tilespmem:s3+$0x8450]  }
0x74: {  	v12 =	vld [tilespmem:s3+$0x460];
	v15, _, _ =	vpop (xrf2);
	(xrf2) =	vadd.scan.msk.f32 $0xffff, v14  }
0x75: {  	v13 =	vld [tilespmem:s3+$0x8460]  }
0x76: {  	s15 =	simm.s32 $0x600;
	s5 =	simm.s32 $0x10400;
	v14 =	vld [tilespmem:s3+$0x470];
	[tilespmem:s30+$0x0] =	vst.msk vm0, v15  }
.LBB2_2:
0x77: {  	p0 =	sne.s32 s15, $0xFE00;
	v15 =	vld [tilespmem:s3+$0x8470];
	s3 =	sshra.s32 s15, $0x2  }
0x78: {  	v16 =	vld [tilespmem:s3+$0x400]  }
0x79: {  	v4 =	vmul.f32 v0, v4;
	v17 =	vmul.f32 v2, v1;
	v0 =	vld [tilespmem:s3+$0x8400]  }
0x7a: {  	v18 =	vmul.f32 v5, v3;
	v6 =	vmul.f32 v7, v6;
	v1 =	vld [tilespmem:s3+$0x410]  }
0x7b: {  	v7 =	vmul.f32 v9, v8;
	v19 =	vmul.f32 v11, v10;
	v2 =	vld [tilespmem:s3+$0x8410]  }
0x7c: {  	v9 =	vmul.f32 v13, v12;
	v3 =	vld [tilespmem:s3+$0x420];
	v10 =	vmul.f32 v15, v14  }
0x7d: {  	v11 =	vadd.f32 v17, v4;
	v12 =	vadd.f32 v6, v18;
	v5 =	vld [tilespmem:s3+$0x8420];
	v4 =	vmov v16  }
0x7e: {  	s5 =	sadd.s32 $0x1, s5;
	v13 =	vadd.f32 v19, v7;
	v6 =	vld [tilespmem:s3+$0x430];
	v9 =	vadd.f32 v10, v9;
	v8, _, _ =	vpop (xrf2)  }
0x7f: {  	v7 =	vld [tilespmem:s3+$0x8430];
	[tilespmem:s5+$0x0] =	vst.msk vm0, v8  }
0x80: {  	v11 =	vadd.f32 v12, v11;
	v8 =	vld [tilespmem:s3+$0x440];
	v12 =	vadd.f32 v9, v13  }
0x81: {  	v9 =	vld [tilespmem:s3+$0x8440]  }
.Ltmp0:
0x82: {  	v10 =	vld [tilespmem:s3+$0x450];
	v13 =	vadd.f32 v12, v11;
	(pc) =	sbr.rel @p0 .LBB2_2-.Ltmp0, $4  }
0x83: {  	v11 =	vld [tilespmem:s3+$0x8450]  }
0x84: {  	v12 =	vld [tilespmem:s3+$0x460];
	(xrf2) =	vadd.scan.msk.f32 $0xffff, v13  }
0x85: {  	v13 =	vld [tilespmem:s3+$0x8460]  }
0x86: {  	s15 =	sadd.s32 $0x200, s15;
	v14 =	vld [tilespmem:s3+$0x470]  }
0x87: {  	v15 =	vld [tilespmem:s3+$0x8470];
	_ =	sdelay $0x1  }
0x88: {  	v0 =	vmul.f32 v0, v4;
	v1 =	vmul.f32 v2, v1  }
0x89: {  	v2 =	vmul.f32 v5, v3;
	v3 =	vmul.f32 v7, v6  }
0x8a: {  	v4 =	vmul.f32 v9, v8;
	v5 =	vmul.f32 v11, v10  }
0x8b: {  	v6 =	vmul.f32 v13, v12;
	v7 =	vmul.f32 v15, v14  }
0x8c: {  	v0 =	vadd.f32 v1, v0;
	v1 =	vadd.f32 v3, v2  }
0x8d: {  	v2 =	vadd.f32 v5, v4;
	v3 =	vadd.f32 v7, v6;
	_ =	sdelay $0x1  }
0x8e: {  	v0 =	vadd.f32 v1, v0;
	v1 =	vadd.f32 v3, v2;
	_ =	sdelay $0x1  }
0x8f: {  	v0 =	vadd.f32 v1, v0;
	_ =	sdelay $0x1  }
0x90: {  	(xrf2) =	vadd.scan.msk.f32 $0xffff, v0;
	_ =	sdelay $0x8  }
0x91: {  	s15 =	sadd.s32 $0x1, s5;
	v0, _, _ =	vpop (xrf2)  }
0x92: {  	s3 =	sadd.s32 $0x1, s15;
	[tilespmem:s15+$0x0] =	vst.msk vm0, v0;
	v0, _, _ =	vpop (xrf2)  }
0x93: {  	[tilespmem:s3+$0x0] =	vst.msk vm0, v0  }
0x94: {  	[tilespmem:s23], [sflag:$0x1] =	stream.indirect.gather [hbm4b:s1+s16], $0x80, s18, s16, $0xb8;
	[tilespmem:$0x10680] =	vst v63  }
0x95: {  	_ = 	snop  }
0x96: {  	[tilespmem:s24], [sflag:$0x1] =	stream.indirect.gather [hbm4b:s2+s16], $0x80, s19, s16, $0xb8;
	[tilespmem:$0x10680] =	vst v63  }
0x97: {  	_ =	swait.ge [sflag:s29], $0x4000  }
0x98: {  	[sflag:s29] =	ssyncset.done $0x0  }
0x99: {  	[sflag:s29] =	ssyncadd.s32 $0xFFFFC000  }
0x9a: {  	_ =	swait.ge [sflag:s29], $0x4000  }
0x9b: {  	[sflag:s29] =	ssyncset.done $0x0  }
0x9c: {  	s5 =	simm.s32 $0x0;
	[sflag:s29] =	ssyncadd.s32 $0xFFFFC000  }
0x9d: {  	v0 =	vld [tilespmem:s5+$0x4400]  }
0x9e: {  	v1 =	vld [tilespmem:s5+$0xC400]  }
0x9f: {  	v2 =	vld [tilespmem:s5+$0x4410]  }
0xa0: {  	v3 =	vld [tilespmem:s5+$0xC410]  }
0xa1: {  	v4 =	vld [tilespmem:s5+$0x4420]  }
0xa2: {  	v5 =	vld [tilespmem:s5+$0xC420]  }
0xa3: {  	v6 =	vld [tilespmem:s5+$0x4430]  }
0xa4: {  	v7 =	vld [tilespmem:s5+$0xC430]  }
0xa5: {  	v8 =	vld [tilespmem:s5+$0x4440]  }
0xa6: {  	v9 =	vld [tilespmem:s5+$0xC440]  }
0xa7: {  	v10 =	vld [tilespmem:s5+$0x4450]  }
0xa8: {  	v11 =	vld [tilespmem:s5+$0xC450]  }
0xa9: {  	v12 =	vld [tilespmem:s5+$0x4460]  }
0xaa: {  	v13 =	vld [tilespmem:s5+$0xC460]  }
0xab: {  	v14 =	vld [tilespmem:s5+$0x4470]  }
0xac: {  	s15 =	simm.s32 $0x80;
	v15 =	vld [tilespmem:s5+$0xC470]  }
0xad: {  	v16 =	vld [tilespmem:s15+$0x4400]  }
0xae: {  	v17 =	vld [tilespmem:s15+$0xC400]  }
0xaf: {  	v18 =	vld [tilespmem:s15+$0x4410]  }
0xb0: {  	v19 =	vld [tilespmem:s15+$0xC410]  }
0xb1: {  	v20 =	vld [tilespmem:s15+$0x4420]  }
0xb2: {  	v21 =	vld [tilespmem:s15+$0xC420]  }
0xb3: {  	v22 =	vld [tilespmem:s15+$0x4430]  }
0xb4: {  	v23 =	vld [tilespmem:s15+$0xC430];
	v0 =	vmul.f32 v1, v0;
	v1 =	vmul.f32 v3, v2  }
0xb5: {  	v24 =	vld [tilespmem:s15+$0x4440];
	v2 =	vmul.f32 v5, v4;
	v3 =	vmul.f32 v7, v6  }
0xb6: {  	v5 =	vld [tilespmem:s15+$0xC440];
	v4 =	vmul.f32 v9, v8;
	v6 =	vmul.f32 v11, v10  }
0xb7: {  	v7 =	vld [tilespmem:s15+$0x4450];
	v8 =	vmul.f32 v13, v12;
	v9 =	vmul.f32 v15, v14  }
0xb8: {  	v10 =	vld [tilespmem:s15+$0xC450];
	v0 =	vadd.f32 v1, v0;
	v1 =	vadd.f32 v3, v2  }
0xb9: {  	v11 =	vld [tilespmem:s15+$0x4460];
	v2 =	vadd.f32 v6, v4;
	v3 =	vadd.f32 v9, v8  }
0xba: {  	v6 =	vld [tilespmem:s15+$0xC460]  }
0xbb: {  	v8 =	vld [tilespmem:s15+$0x4470];
	v0 =	vadd.f32 v1, v0;
	v1 =	vadd.f32 v3, v2  }
0xbc: {  	s3 =	simm.s32 $0x100;
	v9 =	vld [tilespmem:s15+$0xC470]  }
0xbd: {  	v4 =	vld [tilespmem:s3+$0x4400];
	v2 =	vadd.f32 v1, v0  }
0xbe: {  	v12 =	vmul.f32 v17, v16;
	v13 =	vmul.f32 v19, v18;
	v3 =	vld [tilespmem:s3+$0x4420]  }
0xbf: {  	v14 =	vmul.f32 v21, v20;
	v63 =	vmul.f32 v5, v24;
	v5 =	vld [tilespmem:s3+$0xC420];
	(xrf2) =	vadd.scan.msk.f32 $0xffff, v2  }
0xc0: {  	v15 =	vmul.f32 v23, v22;
	v10 =	vmul.f32 v10, v7;
	v7 =	vld [tilespmem:s3+$0xC430]  }
0xc1: {  	v0 =	vld [tilespmem:s3+$0xC400];
	v11 =	vmul.f32 v6, v11;
	v8 =	vmul.f32 v9, v8  }
0xc2: {  	v12 =	vadd.f32 v13, v12;
	v13 =	vadd.f32 v15, v14;
	v1 =	vld [tilespmem:s3+$0x4410]  }
0xc3: {  	v6 =	vld [tilespmem:s3+$0x4430];
	v10 =	vadd.f32 v10, v63;
	v11 =	vadd.f32 v8, v11  }
0xc4: {  	v9 =	vld [tilespmem:s3+$0xC440]  }
0xc5: {  	v12 =	vadd.f32 v13, v12;
	v2 =	vld [tilespmem:s3+$0xC410];
	v13 =	vadd.f32 v11, v10  }
0xc6: {  	v8 =	vld [tilespmem:s3+$0x4440]  }
0xc7: {  	v10 =	vld [tilespmem:s3+$0x4450];
	v14 =	vadd.f32 v13, v12  }
0xc8: {  	v11 =	vld [tilespmem:s3+$0xC450]  }
0xc9: {  	v12 =	vld [tilespmem:s3+$0x4460];
	v15, _, _ =	vpop (xrf2);
	(xrf2) =	vadd.scan.msk.f32 $0xffff, v14  }
0xca: {  	s5 =	simm.s32 $0x10480;
	v13 =	vld [tilespmem:s3+$0xC460]  }
0xcb: {  	s15 =	simm.s32 $0x600;
	v14 =	vld [tilespmem:s3+$0x4470];
	[tilespmem:s5+$0x0] =	vst.msk vm0, v15  }
.LBB2_4:
0xcc: {  	p0 =	sne.s32 s15, $0xFE00;
	v15 =	vld [tilespmem:s3+$0xC470];
	s3 =	sshra.s32 s15, $0x2  }
0xcd: {  	v16 =	vld [tilespmem:s3+$0x4400]  }
0xce: {  	v4 =	vmul.f32 v0, v4;
	v17 =	vmul.f32 v2, v1;
	v0 =	vld [tilespmem:s3+$0xC400]  }
0xcf: {  	v18 =	vmul.f32 v5, v3;
	v6 =	vmul.f32 v7, v6;
	v1 =	vld [tilespmem:s3+$0x4410]  }
0xd0: {  	v7 =	vmul.f32 v9, v8;
	v19 =	vmul.f32 v11, v10;
	v2 =	vld [tilespmem:s3+$0xC410]  }
0xd1: {  	v9 =	vmul.f32 v13, v12;
	v3 =	vld [tilespmem:s3+$0x4420];
	v10 =	vmul.f32 v15, v14  }
0xd2: {  	v11 =	vadd.f32 v17, v4;
	v12 =	vadd.f32 v6, v18;
	v5 =	vld [tilespmem:s3+$0xC420];
	v4 =	vmov v16  }
0xd3: {  	s5 =	sadd.s32 $0x1, s5;
	v13 =	vadd.f32 v19, v7;
	v6 =	vld [tilespmem:s3+$0x4430];
	v9 =	vadd.f32 v10, v9;
	v8, _, _ =	vpop (xrf2)  }
0xd4: {  	v7 =	vld [tilespmem:s3+$0xC430];
	[tilespmem:s5+$0x0] =	vst.msk vm0, v8  }
0xd5: {  	v11 =	vadd.f32 v12, v11;
	v8 =	vld [tilespmem:s3+$0x4440];
	v12 =	vadd.f32 v9, v13  }
0xd6: {  	v9 =	vld [tilespmem:s3+$0xC440]  }
.Ltmp1:
0xd7: {  	v10 =	vld [tilespmem:s3+$0x4450];
	v13 =	vadd.f32 v12, v11;
	(pc) =	sbr.rel @p0 .LBB2_4-.Ltmp1, $4  }
0xd8: {  	v11 =	vld [tilespmem:s3+$0xC450]  }
0xd9: {  	v12 =	vld [tilespmem:s3+$0x4460];
	(xrf2) =	vadd.scan.msk.f32 $0xffff, v13  }
0xda: {  	v13 =	vld [tilespmem:s3+$0xC460]  }
0xdb: {  	s15 =	sadd.s32 $0x200, s15;
	v14 =	vld [tilespmem:s3+$0x4470]  }
0xdc: {  	v15 =	vld [tilespmem:s3+$0xC470];
	_ =	sdelay $0x1  }
0xdd: {  	v0 =	vmul.f32 v0, v4;
	v1 =	vmul.f32 v2, v1  }
0xde: {  	v2 =	vmul.f32 v5, v3;
	v3 =	vmul.f32 v7, v6  }
0xdf: {  	v4 =	vmul.f32 v9, v8;
	v5 =	vmul.f32 v11, v10  }
0xe0: {  	v6 =	vmul.f32 v13, v12;
	v7 =	vmul.f32 v15, v14  }
0xe1: {  	v0 =	vadd.f32 v1, v0;
	v1 =	vadd.f32 v3, v2  }
0xe2: {  	v2 =	vadd.f32 v5, v4;
	v3 =	vadd.f32 v7, v6;
	_ =	sdelay $0x1  }
0xe3: {  	v0 =	vadd.f32 v1, v0;
	v1 =	vadd.f32 v3, v2;
	_ =	sdelay $0x1  }
0xe4: {  	v0 =	vadd.f32 v1, v0;
	_ =	sdelay $0x1  }
0xe5: {  	(xrf2) =	vadd.scan.msk.f32 $0xffff, v0;
	_ =	sdelay $0x8  }
0xe6: {  	s15 =	sadd.s32 $0x1, s5;
	v0, _, _ =	vpop (xrf2)  }
0xe7: {  	s3 =	sadd.s32 $0x1, s15;
	[tilespmem:s15+$0x0] =	vst.msk vm0, v0;
	v0, _, _ =	vpop (xrf2)  }
0xe8: {  	[tilespmem:s3+$0x0] =	vst.msk vm0, v0  }
0xe9: {  	[tilespmem:s25], [sflag:$0x2] =	stream.indirect.gather [hbm4b:s1+s16], $0x80, s20, s16, $0xb8;
	[tilespmem:$0x10680] =	vst v63  }
0xea: {  	_ = 	snop  }
0xeb: {  	[tilespmem:s26], [sflag:$0x2] =	stream.indirect.gather [hbm4b:s2+s16], $0x80, s21, s16, $0xb8;
	[tilespmem:$0x10680] =	vst v63  }
0xec: {  	_ =	swait.ge [sflag:s28], $0x4000  }
0xed: {  	[sflag:s28] =	ssyncset.done $0x0  }
0xee: {  	[sflag:s28] =	ssyncadd.s32 $0xFFFFC000  }
0xef: {  	_ =	swait.ge [sflag:s28], $0x4000  }
0xf0: {  	[sflag:s28] =	ssyncset.done $0x0  }
0xf1: {  	s5 =	simm.s32 $0x0;
	[sflag:s28] =	ssyncadd.s32 $0xFFFFC000  }
0xf2: {  	v0 =	vld [tilespmem:s5+$0x400]  }
0xf3: {  	v1 =	vld [tilespmem:s5+$0x8400]  }
0xf4: {  	v2 =	vld [tilespmem:s5+$0x410]  }
0xf5: {  	v3 =	vld [tilespmem:s5+$0x8410]  }
0xf6: {  	v4 =	vld [tilespmem:s5+$0x420]  }
0xf7: {  	v5 =	vld [tilespmem:s5+$0x8420]  }
0xf8: {  	v6 =	vld [tilespmem:s5+$0x430]  }
0xf9: {  	v7 =	vld [tilespmem:s5+$0x8430]  }
0xfa: {  	v8 =	vld [tilespmem:s5+$0x440]  }
0xfb: {  	v9 =	vld [tilespmem:s5+$0x8440]  }
0xfc: {  	v10 =	vld [tilespmem:s5+$0x450]  }
0xfd: {  	v11 =	vld [tilespmem:s5+$0x8450]  }
0xfe: {  	v12 =	vld [tilespmem:s5+$0x460]  }
0xff: {  	v13 =	vld [tilespmem:s5+$0x8460]  }
0x100: {  	v14 =	vld [tilespmem:s5+$0x470]  }
0x101: {  	s15 =	simm.s32 $0x80;
	v15 =	vld [tilespmem:s5+$0x8470]  }
0x102: {  	v16 =	vld [tilespmem:s15+$0x400]  }
0x103: {  	v17 =	vld [tilespmem:s15+$0x8400]  }
0x104: {  	v18 =	vld [tilespmem:s15+$0x410]  }
0x105: {  	v19 =	vld [tilespmem:s15+$0x8410]  }
0x106: {  	v20 =	vld [tilespmem:s15+$0x420]  }
0x107: {  	v21 =	vld [tilespmem:s15+$0x8420]  }
0x108: {  	v22 =	vld [tilespmem:s15+$0x430]  }
0x109: {  	v23 =	vld [tilespmem:s15+$0x8430];
	v0 =	vmul.f32 v1, v0;
	v1 =	vmul.f32 v3, v2  }
0x10a: {  	v24 =	vld [tilespmem:s15+$0x440];
	v2 =	vmul.f32 v5, v4;
	v3 =	vmul.f32 v7, v6  }
0x10b: {  	v5 =	vld [tilespmem:s15+$0x8440];
	v4 =	vmul.f32 v9, v8;
	v6 =	vmul.f32 v11, v10  }
0x10c: {  	v7 =	vld [tilespmem:s15+$0x450];
	v8 =	vmul.f32 v13, v12;
	v9 =	vmul.f32 v15, v14  }
0x10d: {  	v10 =	vld [tilespmem:s15+$0x8450];
	v0 =	vadd.f32 v1, v0;
	v1 =	vadd.f32 v3, v2  }
0x10e: {  	v11 =	vld [tilespmem:s15+$0x460];
	v2 =	vadd.f32 v6, v4;
	v3 =	vadd.f32 v9, v8  }
0x10f: {  	v6 =	vld [tilespmem:s15+$0x8460]  }
0x110: {  	v8 =	vld [tilespmem:s15+$0x470];
	v0 =	vadd.f32 v1, v0;
	v1 =	vadd.f32 v3, v2  }
0x111: {  	s3 =	simm.s32 $0x100;
	v9 =	vld [tilespmem:s15+$0x8470]  }
0x112: {  	v4 =	vld [tilespmem:s3+$0x400];
	v2 =	vadd.f32 v1, v0  }
0x113: {  	v12 =	vmul.f32 v17, v16;
	v13 =	vmul.f32 v19, v18;
	v3 =	vld [tilespmem:s3+$0x420]  }
0x114: {  	v14 =	vmul.f32 v21, v20;
	v63 =	vmul.f32 v5, v24;
	v5 =	vld [tilespmem:s3+$0x8420];
	(xrf2) =	vadd.scan.msk.f32 $0xffff, v2  }
0x115: {  	v15 =	vmul.f32 v23, v22;
	v10 =	vmul.f32 v10, v7;
	v7 =	vld [tilespmem:s3+$0x8430]  }
0x116: {  	v0 =	vld [tilespmem:s3+$0x8400];
	v11 =	vmul.f32 v6, v11;
	v8 =	vmul.f32 v9, v8  }
0x117: {  	v12 =	vadd.f32 v13, v12;
	v13 =	vadd.f32 v15, v14;
	v1 =	vld [tilespmem:s3+$0x410]  }
0x118: {  	v6 =	vld [tilespmem:s3+$0x430];
	v10 =	vadd.f32 v10, v63;
	v11 =	vadd.f32 v8, v11  }
0x119: {  	v9 =	vld [tilespmem:s3+$0x8440]  }
0x11a: {  	v12 =	vadd.f32 v13, v12;
	v2 =	vld [tilespmem:s3+$0x8410];
	v13 =	vadd.f32 v11, v10  }
0x11b: {  	v8 =	vld [tilespmem:s3+$0x440]  }
0x11c: {  	v10 =	vld [tilespmem:s3+$0x450];
	v14 =	vadd.f32 v13, v12  }
0x11d: {  	v11 =	vld [tilespmem:s3+$0x8450]  }
0x11e: {  	v12 =	vld [tilespmem:s3+$0x460];
	v15, _, _ =	vpop (xrf2);
	(xrf2) =	vadd.scan.msk.f32 $0xffff, v14  }
0x11f: {  	s5 =	simm.s32 $0x10500;
	v13 =	vld [tilespmem:s3+$0x8460]  }
0x120: {  	s15 =	simm.s32 $0x600;
	v14 =	vld [tilespmem:s3+$0x470];
	[tilespmem:s5+$0x0] =	vst.msk vm0, v15  }
.LBB2_6:
0x121: {  	p0 =	sne.s32 s15, $0xFE00;
	v15 =	vld [tilespmem:s3+$0x8470];
	s3 =	sshra.s32 s15, $0x2  }
0x122: {  	v16 =	vld [tilespmem:s3+$0x400]  }
0x123: {  	v4 =	vmul.f32 v0, v4;
	v17 =	vmul.f32 v2, v1;
	v0 =	vld [tilespmem:s3+$0x8400]  }
0x124: {  	v18 =	vmul.f32 v5, v3;
	v6 =	vmul.f32 v7, v6;
	v1 =	vld [tilespmem:s3+$0x410]  }
0x125: {  	v7 =	vmul.f32 v9, v8;
	v19 =	vmul.f32 v11, v10;
	v2 =	vld [tilespmem:s3+$0x8410]  }
0x126: {  	v9 =	vmul.f32 v13, v12;
	v3 =	vld [tilespmem:s3+$0x420];
	v10 =	vmul.f32 v15, v14  }
0x127: {  	v11 =	vadd.f32 v17, v4;
	v12 =	vadd.f32 v6, v18;
	v5 =	vld [tilespmem:s3+$0x8420];
	v4 =	vmov v16  }
0x128: {  	s5 =	sadd.s32 $0x1, s5;
	v13 =	vadd.f32 v19, v7;
	v6 =	vld [tilespmem:s3+$0x430];
	v9 =	vadd.f32 v10, v9;
	v8, _, _ =	vpop (xrf2)  }
0x129: {  	v7 =	vld [tilespmem:s3+$0x8430];
	[tilespmem:s5+$0x0] =	vst.msk vm0, v8  }
0x12a: {  	v11 =	vadd.f32 v12, v11;
	v8 =	vld [tilespmem:s3+$0x440];
	v12 =	vadd.f32 v9, v13  }
0x12b: {  	v9 =	vld [tilespmem:s3+$0x8440]  }
.Ltmp2:
0x12c: {  	v10 =	vld [tilespmem:s3+$0x450];
	v13 =	vadd.f32 v12, v11;
	(pc) =	sbr.rel @p0 .LBB2_6-.Ltmp2, $4  }
0x12d: {  	v11 =	vld [tilespmem:s3+$0x8450]  }
0x12e: {  	v12 =	vld [tilespmem:s3+$0x460];
	(xrf2) =	vadd.scan.msk.f32 $0xffff, v13  }
0x12f: {  	v13 =	vld [tilespmem:s3+$0x8460]  }
0x130: {  	s15 =	sadd.s32 $0x200, s15;
	v14 =	vld [tilespmem:s3+$0x470]  }
0x131: {  	v15 =	vld [tilespmem:s3+$0x8470];
	_ =	sdelay $0x1  }
0x132: {  	v0 =	vmul.f32 v0, v4;
	v1 =	vmul.f32 v2, v1  }
0x133: {  	v2 =	vmul.f32 v5, v3;
	v3 =	vmul.f32 v7, v6  }
0x134: {  	v4 =	vmul.f32 v9, v8;
	v5 =	vmul.f32 v11, v10  }
0x135: {  	v6 =	vmul.f32 v13, v12;
	v7 =	vmul.f32 v15, v14  }
0x136: {  	v0 =	vadd.f32 v1, v0;
	v1 =	vadd.f32 v3, v2  }
0x137: {  	v2 =	vadd.f32 v5, v4;
	v3 =	vadd.f32 v7, v6;
	_ =	sdelay $0x1  }
0x138: {  	v0 =	vadd.f32 v1, v0;
	v1 =	vadd.f32 v3, v2;
	_ =	sdelay $0x1  }
0x139: {  	v0 =	vadd.f32 v1, v0;
	_ =	sdelay $0x1  }
0x13a: {  	(xrf2) =	vadd.scan.msk.f32 $0xffff, v0;
	_ =	sdelay $0x8  }
0x13b: {  	s15 =	sadd.s32 $0x1, s5;
	v0, _, _ =	vpop (xrf2)  }
0x13c: {  	s3 =	sadd.s32 $0x1, s15;
	[tilespmem:s15+$0x0] =	vst.msk vm0, v0;
	v0, _, _ =	vpop (xrf2)  }
0x13d: {  	[tilespmem:s3+$0x0] =	vst.msk vm0, v0  }
0x13e: {  	_ =	swait.ge [sflag:s29], $0x4000  }
0x13f: {  	[sflag:s29] =	ssyncset.done $0x0  }
0x140: {  	[sflag:s29] =	ssyncadd.s32 $0xFFFFC000  }
0x141: {  	_ =	swait.ge [sflag:s29], $0x4000  }
0x142: {  	[sflag:s29] =	ssyncset.done $0x0  }
0x143: {  	s5 =	simm.s32 $0x0;
	[sflag:s29] =	ssyncadd.s32 $0xFFFFC000  }
0x144: {  	v0 =	vld [tilespmem:s5+$0x4400]  }
0x145: {  	v1 =	vld [tilespmem:s5+$0xC400]  }
0x146: {  	v2 =	vld [tilespmem:s5+$0x4410]  }
0x147: {  	v3 =	vld [tilespmem:s5+$0xC410]  }
0x148: {  	v4 =	vld [tilespmem:s5+$0x4420]  }
0x149: {  	v5 =	vld [tilespmem:s5+$0xC420]  }
0x14a: {  	v6 =	vld [tilespmem:s5+$0x4430]  }
0x14b: {  	v7 =	vld [tilespmem:s5+$0xC430]  }
0x14c: {  	v8 =	vld [tilespmem:s5+$0x4440]  }
0x14d: {  	v9 =	vld [tilespmem:s5+$0xC440]  }
0x14e: {  	v10 =	vld [tilespmem:s5+$0x4450]  }
0x14f: {  	v11 =	vld [tilespmem:s5+$0xC450]  }
0x150: {  	v12 =	vld [tilespmem:s5+$0x4460]  }
0x151: {  	v13 =	vld [tilespmem:s5+$0xC460]  }
0x152: {  	v14 =	vld [tilespmem:s5+$0x4470]  }
0x153: {  	s15 =	simm.s32 $0x80;
	v15 =	vld [tilespmem:s5+$0xC470]  }
0x154: {  	v16 =	vld [tilespmem:s15+$0x4400]  }
0x155: {  	v17 =	vld [tilespmem:s15+$0xC400]  }
0x156: {  	v18 =	vld [tilespmem:s15+$0x4410]  }
0x157: {  	v19 =	vld [tilespmem:s15+$0xC410]  }
0x158: {  	v20 =	vld [tilespmem:s15+$0x4420]  }
0x159: {  	v21 =	vld [tilespmem:s15+$0xC420]  }
0x15a: {  	v22 =	vld [tilespmem:s15+$0x4430]  }
0x15b: {  	v23 =	vld [tilespmem:s15+$0xC430];
	v0 =	vmul.f32 v1, v0;
	v1 =	vmul.f32 v3, v2  }
0x15c: {  	v24 =	vld [tilespmem:s15+$0x4440];
	v2 =	vmul.f32 v5, v4;
	v3 =	vmul.f32 v7, v6  }
0x15d: {  	v5 =	vld [tilespmem:s15+$0xC440];
	v4 =	vmul.f32 v9, v8;
	v6 =	vmul.f32 v11, v10  }
0x15e: {  	v7 =	vld [tilespmem:s15+$0x4450];
	v8 =	vmul.f32 v13, v12;
	v9 =	vmul.f32 v15, v14  }
0x15f: {  	v10 =	vld [tilespmem:s15+$0xC450];
	v0 =	vadd.f32 v1, v0;
	v1 =	vadd.f32 v3, v2  }
0x160: {  	v11 =	vld [tilespmem:s15+$0x4460];
	v2 =	vadd.f32 v6, v4;
	v3 =	vadd.f32 v9, v8  }
0x161: {  	v6 =	vld [tilespmem:s15+$0xC460]  }
0x162: {  	v8 =	vld [tilespmem:s15+$0x4470];
	v0 =	vadd.f32 v1, v0;
	v1 =	vadd.f32 v3, v2  }
0x163: {  	s3 =	simm.s32 $0x100;
	v9 =	vld [tilespmem:s15+$0xC470]  }
0x164: {  	v4 =	vld [tilespmem:s3+$0x4400];
	v2 =	vadd.f32 v1, v0  }
0x165: {  	v12 =	vmul.f32 v17, v16;
	v13 =	vmul.f32 v19, v18;
	v3 =	vld [tilespmem:s3+$0x4420]  }
0x166: {  	v14 =	vmul.f32 v21, v20;
	v63 =	vmul.f32 v5, v24;
	v5 =	vld [tilespmem:s3+$0xC420];
	(xrf2) =	vadd.scan.msk.f32 $0xffff, v2  }
0x167: {  	v15 =	vmul.f32 v23, v22;
	v10 =	vmul.f32 v10, v7;
	v7 =	vld [tilespmem:s3+$0xC430]  }
0x168: {  	v0 =	vld [tilespmem:s3+$0xC400];
	v11 =	vmul.f32 v6, v11;
	v8 =	vmul.f32 v9, v8  }
0x169: {  	v12 =	vadd.f32 v13, v12;
	v13 =	vadd.f32 v15, v14;
	v1 =	vld [tilespmem:s3+$0x4410]  }
0x16a: {  	v6 =	vld [tilespmem:s3+$0x4430];
	v10 =	vadd.f32 v10, v63;
	v11 =	vadd.f32 v8, v11  }
0x16b: {  	v9 =	vld [tilespmem:s3+$0xC440]  }
0x16c: {  	v12 =	vadd.f32 v13, v12;
	v2 =	vld [tilespmem:s3+$0xC410];
	v13 =	vadd.f32 v11, v10  }
0x16d: {  	v8 =	vld [tilespmem:s3+$0x4440]  }
0x16e: {  	v10 =	vld [tilespmem:s3+$0x4450];
	v14 =	vadd.f32 v13, v12  }
0x16f: {  	v11 =	vld [tilespmem:s3+$0xC450]  }
0x170: {  	v12 =	vld [tilespmem:s3+$0x4460];
	v15, _, _ =	vpop (xrf2);
	(xrf2) =	vadd.scan.msk.f32 $0xffff, v14  }
0x171: {  	s5 =	simm.s32 $0x10580;
	v13 =	vld [tilespmem:s3+$0xC460]  }
0x172: {  	s15 =	simm.s32 $0x600;
	v14 =	vld [tilespmem:s3+$0x4470];
	[tilespmem:s5+$0x0] =	vst.msk vm0, v15  }
.LBB2_8:
0x173: {  	p0 =	sne.s32 s15, $0xFE00;
	v15 =	vld [tilespmem:s3+$0xC470];
	s3 =	sshra.s32 s15, $0x2  }
0x174: {  	v16 =	vld [tilespmem:s3+$0x4400]  }
0x175: {  	v4 =	vmul.f32 v0, v4;
	v17 =	vmul.f32 v2, v1;
	v0 =	vld [tilespmem:s3+$0xC400]  }
0x176: {  	v18 =	vmul.f32 v5, v3;
	v6 =	vmul.f32 v7, v6;
	v1 =	vld [tilespmem:s3+$0x4410]  }
0x177: {  	v7 =	vmul.f32 v9, v8;
	v19 =	vmul.f32 v11, v10;
	v2 =	vld [tilespmem:s3+$0xC410]  }
0x178: {  	v9 =	vmul.f32 v13, v12;
	v3 =	vld [tilespmem:s3+$0x4420];
	v10 =	vmul.f32 v15, v14  }
0x179: {  	v11 =	vadd.f32 v17, v4;
	v12 =	vadd.f32 v6, v18;
	v5 =	vld [tilespmem:s3+$0xC420];
	v4 =	vmov v16  }
0x17a: {  	s5 =	sadd.s32 $0x1, s5;
	v13 =	vadd.f32 v19, v7;
	v6 =	vld [tilespmem:s3+$0x4430];
	v9 =	vadd.f32 v10, v9;
	v8, _, _ =	vpop (xrf2)  }
0x17b: {  	v7 =	vld [tilespmem:s3+$0xC430];
	[tilespmem:s5+$0x0] =	vst.msk vm0, v8  }
0x17c: {  	v11 =	vadd.f32 v12, v11;
	v8 =	vld [tilespmem:s3+$0x4440];
	v12 =	vadd.f32 v9, v13  }
0x17d: {  	v9 =	vld [tilespmem:s3+$0xC440]  }
.Ltmp3:
0x17e: {  	v10 =	vld [tilespmem:s3+$0x4450];
	v13 =	vadd.f32 v12, v11;
	(pc) =	sbr.rel @p0 .LBB2_8-.Ltmp3, $4  }
0x17f: {  	v11 =	vld [tilespmem:s3+$0xC450]  }
0x180: {  	v12 =	vld [tilespmem:s3+$0x4460];
	(xrf2) =	vadd.scan.msk.f32 $0xffff, v13  }
0x181: {  	v13 =	vld [tilespmem:s3+$0xC460]  }
0x182: {  	s15 =	sadd.s32 $0x200, s15;
	v14 =	vld [tilespmem:s3+$0x4470]  }
0x183: {  	v15 =	vld [tilespmem:s3+$0xC470];
	_ =	sdelay $0x1  }
0x184: {  	v0 =	vmul.f32 v0, v4;
	v1 =	vmul.f32 v2, v1  }
0x185: {  	v52 =	vmul.f32 v5, v3;
	v53 =	vmul.f32 v7, v6  }
0x186: {  	v54 =	vmul.f32 v9, v8;
	v55 =	vmul.f32 v11, v10  }
0x187: {  	v56 =	vmul.f32 v13, v12;
	v57 =	vmul.f32 v15, v14  }
0x188: {  	v0 =	vadd.f32 v1, v0;
	v58 =	vadd.f32 v53, v52  }
0x189: {  	v59 =	vadd.f32 v55, v54;
	v60 =	vadd.f32 v57, v56;
	_ =	sdelay $0x1  }
0x18a: {  	v0 =	vadd.f32 v58, v0;
	v61 =	vadd.f32 v60, v59;
	_ =	sdelay $0x1  }
0x18b: {  	v0 =	vadd.f32 v61, v0;
	_ =	sdelay $0x1  }
0x18c: {  	(xrf2) =	vadd.scan.msk.f32 $0xffff, v0;
	_ =	sdelay $0x8  }
0x18d: {  	s15 =	sadd.s32 $0x1, s5;
	s0 =	sadd.s32 $0x1, s0;
	v62, _, _ =	vpop (xrf2)  }
0x18e: {  	s3 =	sadd.s32 $0x1, s15;
	p0 =	sne.s32 s0, s14;
	[tilespmem:s15+$0x0] =	vst.msk vm0, v62;
	v63, _, _ =	vpop (xrf2)  }
.Ltmp4:
0x18f: {  	[tilespmem:s3+$0x0] =	vst.msk vm0, v63;
	(pc) =	sbr.rel @p0 .LBB2_1-.Ltmp4, $4  }
0x190: {  	[hbm4b:s13+s4] =	stream.linear.scatter [tilespmem:s30], [sflag:$0x4], $0x200, $0x38;
	[tilespmem:$0x10680] =	vst v63  }
0x191: {  	_ =	swait.ge [sflag:s31], $0x200  }
0x192: {  	[sflag:s31] =	ssyncset.done $0x0  }
0x193: {  	[sflag:s31] =	ssyncadd.s32 $0xFFFFFE00  }
0x194: {  	_ =	sfence.sel $0x180000  }
0x195: {  	[bflag:$0x0] =	sbarrier.arrive $0xFFFF  }
0x196: {  	_ =	strace $0x90000047  }
0x197: {  	s0 =	stileid.u32;
	[bflag:$0x2] =	sbarrier.arrive $0xFFFF  }
0x198: {  	p0 =	sne.s32 s0, $0x0;
	s0 =	rddreg [dreg:$0x5]  }
0x199: {  	s0 =	sadd.s32 @!p0 $0x100000, s0  }
0x19a: {  	[sflag:s0] =	ssyncadd.tile.s32 @!p0 $0x1;
	_ =	shalt  }
.Lfunc_end2:
_tile_overlayer_lowered:
.L_overlay_start_2:
0x19b: {  	(tag) =	ssettag $0x2  }
0x19c: {  	s0 =	rddreg [dreg:$0x0];
	s2 =	stileid.u32  }
0x19d: {  	s1 =	rddreg [dreg:$0x1];
	p0 =	sne.s32 s2, $0x0  }
0x19e: {  	s3 =	rddreg [dreg:$0x2];
	[bflag:$0x3] =	sbarrier.arrive $0xFFFF;
	s2 =	simm.s32 @!p0 $0x1C04  }
0x19f: {  	[timem:s3], [sflag:s2] =	dma.local @!p0 [hbm:s0], s1  }
0x1a0: {  	s0 =	simm.s32 @!p0 $0x4  }
0x1a1: {  	_ =	swait.ge @!p0 [sflag:s0], s1  }
0x1a2: {  	s1 =	ssub.s32 @!p0 $0x0, s1;
	[sflag:s0] =	ssyncset.done @!p0 $0x0  }
0x1a3: {  	[sflag:s0] =	ssyncadd.s32 @!p0 s1  }
0x1a4: {  	[bflag:$0x3] =	sbarrier.arrive $0xFFFF  }
0x1a5: {  	_ =	shalt  }

</sc_bundles>
